<compile_context>
chip_gen: v7x
topology: tpu7x:2x2x1
jax: 0.10.2.dev20260603
libtpu: 0.0.44.dev20260713+nightly
codegen_flags: <defaults>
</compile_context>

<pallas_src>
import jax
import jax.numpy as jnp
from jax import lax
from jax.experimental import pallas as pl
from jax.experimental.pallas import tpu as pltpu
from jax.experimental.pallas import tpu_sc as plsc

EMB = 64
WINDOW = 5
HIDDEN = 1024
LABELS = 64
BATCH = 4096
IN_DIM = EMB * WINDOW

NC, NS = 2, 16
NW = NC * NS
ROWS = BATCH * WINDOW
RPW = ROWS // NW
CHUNK = 128
NCHUNK = RPW // CHUNK

BB = 512


def _sc_gather_body(words_hbm, pref_hbm, suff_hbm, idx_hbm, out_hbm,
                    idx_v, buf_v, gsem):
    wid = lax.axis_index("s") * NC + lax.axis_index("c")
    pltpu.sync_copy(idx_hbm.at[wid], idx_v)
    tables = (words_hbm, pref_hbm, suff_hbm)
    cps = []
    for t in range(3):
        for c in range(NCHUNK):
            cps.append(pltpu.async_copy(
                tables[t].at[idx_v.at[t, c]],
                buf_v.at[t, pl.ds(c * CHUNK, CHUNK)],
                gsem))
    for cp in cps:
        cp.wait()
    for t in range(3):
        pltpu.sync_copy(buf_v.at[t], out_hbm.at[t, pl.ds(wid * RPW, RPW)])


_SC_GATHER_CACHE = []


def _sc_gather_kernel():
    if not _SC_GATHER_CACHE:
        _SC_GATHER_CACHE.append(pl.kernel(
            _sc_gather_body,
            out_type=jax.ShapeDtypeStruct((3, ROWS, EMB), jnp.float32),
            mesh=plsc.VectorSubcoreMesh(core_axis_name="c",
                                        subcore_axis_name="s",
                                        num_cores=NC, num_subcores=NS),
            scratch_types=[
                pltpu.VMEM((3, NCHUNK, CHUNK), jnp.int32),
                pltpu.VMEM((3, RPW, EMB), jnp.float32),
                pltpu.SemaphoreType.DMA,
            ],
            compiler_params=pltpu.CompilerParams(use_tc_tiling_on_sc=False),
        ))
    return _SC_GATHER_CACHE[0]


def _mlp_body(s3_ref, w1_ref, b1_ref, w2_ref, b2_ref, out_ref):
    h = s3_ref[0] + s3_ref[1] + s3_ref[2]
    z = jnp.dot(h, w1_ref[...], preferred_element_type=jnp.float32)
    z = jnp.tanh(z + b1_ref[...])
    out_ref[...] = (
        jnp.dot(z, w2_ref[...], preferred_element_type=jnp.float32)
        + b2_ref[...])


_mlp = pl.pallas_call(
    _mlp_body,
    grid=(BATCH // BB,),
    in_specs=[
        pl.BlockSpec((3, BB, IN_DIM), lambda i: (0, i, 0)),
        pl.BlockSpec((IN_DIM, HIDDEN), lambda i: (0, 0)),
        pl.BlockSpec((1, HIDDEN), lambda i: (0, 0)),
        pl.BlockSpec((HIDDEN, LABELS), lambda i: (0, 0)),
        pl.BlockSpec((1, LABELS), lambda i: (0, 0)),
    ],
    out_specs=pl.BlockSpec((BB, LABELS), lambda i: (i, 0)),
    out_shape=jax.ShapeDtypeStruct((BATCH, LABELS), jnp.float32),
)


def kernel(x, emb_words, emb_pref, emb_suff, W1, b1, W2, b2):
    idx = jnp.transpose(x, (1, 0, 2)).reshape(3, NW, NCHUNK, CHUNK)
    idx = jnp.transpose(idx, (1, 0, 2, 3))
    gathered = _sc_gather_kernel()(emb_words, emb_pref, emb_suff, idx)
    s3 = gathered.reshape(3, BATCH, IN_DIM)
    return _mlp(s3, W1, b1.reshape(1, HIDDEN), W2, b2.reshape(1, LABELS))

# --- scband reference (transcript-rebuilt; emitter-appended) ---
"""Pipeline reference for scband-window-model-76149770158483 (READ-ONLY COPY).

The authoritative reference and input builder live on the scoring server;
editing this copy changes nothing except your own understanding.
"""

import jax, jax.numpy as jnp
import numpy as np

VOCAB = 100000
PREF = 500
SUFF = 500
EMB = 64
WINDOW = 5
HIDDEN = 1024
LABELS = 64
BATCH = 4096


def setup_inputs(seed: int = 0) -> dict:
    key = jax.random.key(seed)
    ks = jax.random.split(key, 9)
    x = jax.random.randint(ks[0], (BATCH, 3, WINDOW), 0, 500, dtype=jnp.int32)
    emb_words = jax.random.normal(ks[1], (VOCAB, EMB), dtype=jnp.float32) * 0.02
    emb_pref = jax.random.normal(ks[2], (PREF, EMB), dtype=jnp.float32) * 0.02
    emb_suff = jax.random.normal(ks[3], (SUFF, EMB), dtype=jnp.float32) * 0.02
    W1 = jax.random.normal(ks[4], (EMB * WINDOW, HIDDEN), dtype=jnp.float32) * (1.0 / np.sqrt(EMB * WINDOW))
    b1 = jnp.zeros((HIDDEN,), dtype=jnp.float32)
    W2 = jax.random.normal(ks[5], (HIDDEN, LABELS), dtype=jnp.float32) * (1.0 / np.sqrt(HIDDEN))
    b2 = jnp.zeros((LABELS,), dtype=jnp.float32)
    return {"x": x, "emb_words": emb_words, "emb_pref": emb_pref, "emb_suff": emb_suff,
            "W1": W1, "b1": b1, "W2": W2, "b2": b2}


def reference(x, emb_words, emb_pref, emb_suff, W1, b1, W2, b2):
    words = x[:, 0, :]
    prefixes = x[:, 1, :]
    suffixes = x[:, 2, :]
    word_vec = jnp.take(emb_words, words, axis=0)
    pref_vec = jnp.take(emb_pref, prefixes, axis=0)
    suff_vec = jnp.take(emb_suff, suffixes, axis=0)
    sum_vec = word_vec + pref_vec + suff_vec
    h = sum_vec.reshape(-1, EMB * WINDOW)
    h = jnp.dot(h, W1) + b1
    h = jnp.tanh(h)
    # dropout(p=0.25) is identity in eval mode
    out = jnp.dot(h, W2) + b2
    return out

if __name__ == "__main__":
    import jax
    _d = setup_inputs()
    print(jax.jit(kernel)(*tuple(_d.values())))

</pallas_src>

<mosaic_0001>
#map = affine_map<(d0, d1) -> (0, 0)>
#map1 = affine_map<(d0, d1) -> (0, 0, 0, 0)>
#map2 = affine_map<(d0, d1) -> (0, 0, 0)>
module attributes {stable_mosaic.version = 14 : i64} {
  func.func @_sc_gather_body(%arg0: i32, %arg1: i32, %arg2: memref<100000x64xf32, #tpu.memory_space<hbm>>, %arg3: memref<500x64xf32, #tpu.memory_space<hbm>>, %arg4: memref<500x64xf32, #tpu.memory_space<hbm>>, %arg5: memref<32x3x5x128xi32, #tpu.memory_space<hbm>>, %arg6: memref<3x20480x64xf32, #tpu.memory_space<hbm>>, %arg7: memref<3x5x128xi32, #tpu.memory_space<vmem>>, %arg8: memref<3x640x64xf32, #tpu.memory_space<vmem>>, %arg9: memref<!tpu.dma_semaphore, #tpu.memory_space<semaphore_mem>>) attributes {dimension_semantics = [#tpu.dimension_semantics<core_parallel>, #tpu.dimension_semantics<subcore_parallel>], iteration_bounds = array<i64: 2, 16>, scalar_prefetch = 0 : i64, scratch_operands = 3 : i64, tpu.core_type = #tpu.core_type<sc_vector_subcore>, window_params = [{transform_indices = #map}, {transform_indices = #map}, {transform_indices = #map}, {transform_indices = #map1}, {transform_indices = #map2}]} {
    %mul3A = arith.constant 2 : i32
    %mul3A_0 = arith.muli %arg1, %mul3A : i32
    %add3A = arith.addi %mul3A_0, %arg0 : i32
    "tpu.region"() ({
      %run_scoped3A_400 = tpu.sem_alloc : memref<!tpu.dma_semaphore, #tpu.memory_space<semaphore_mem>>
      %dma_start3A_401 = arith.constant 0 : i32
      %dma_start3A_402 = arith.constant 0 : i32
      %dma_start3A_403 = arith.constant 0 : i32
      %dma_start3A_404 = tpu.memref_slice %arg5[%add3A, %dma_start3A_401, %dma_start3A_402, %dma_start3A_403] : memref<32x3x5x128xi32, #tpu.memory_space<hbm>> -> memref<1x3x5x128xi32, #tpu.memory_space<hbm>>
      %dma_start3A_405 = tpu.memref_squeeze %dma_start3A_404 : memref<1x3x5x128xi32, #tpu.memory_space<hbm>> -> memref<3x5x128xi32, #tpu.memory_space<hbm>>
      %dma_start3A_406 = arith.constant 0 : i32
      %dma_start3A_407 = arith.constant 0 : i32
      %dma_start3A_408 = arith.constant 0 : i32
      %dma_start3A_409 = tpu.memref_slice %arg5[%add3A, %dma_start3A_406, %dma_start3A_407, %dma_start3A_408] : memref<32x3x5x128xi32, #tpu.memory_space<hbm>> -> memref<1x3x5x128xi32, #tpu.memory_space<hbm>>
      %dma_start3A_410 = tpu.memref_squeeze %dma_start3A_409 : memref<1x3x5x128xi32, #tpu.memory_space<hbm>> -> memref<3x5x128xi32, #tpu.memory_space<hbm>>
      tpu.enqueue_dma source(%dma_start3A_410 : memref<3x5x128xi32, #tpu.memory_space<hbm>>) target(%arg7 : memref<3x5x128xi32, #tpu.memory_space<vmem>>) target_semaphore(%run_scoped3A_400 : memref<!tpu.dma_semaphore, #tpu.memory_space<semaphore_mem>>)
      %dma_wait3A_411 = arith.constant 0 : i32
      %dma_wait3A_412 = arith.constant 0 : i32
      %dma_wait3A_413 = arith.constant 0 : i32
      %dma_wait3A_414 = tpu.memref_slice %arg5[%add3A, %dma_wait3A_411, %dma_wait3A_412, %dma_wait3A_413] : memref<32x3x5x128xi32, #tpu.memory_space<hbm>> -> memref<1x3x5x128xi32, #tpu.memory_space<hbm>>
      %dma_wait3A_415 = tpu.memref_squeeze %dma_wait3A_414 : memref<1x3x5x128xi32, #tpu.memory_space<hbm>> -> memref<3x5x128xi32, #tpu.memory_space<hbm>>
      %dma_wait3A_416 = arith.constant 0 : i32
      %dma_wait3A_417 = arith.constant 0 : i32
      %dma_wait3A_418 = arith.constant 0 : i32
      %dma_wait3A_419 = tpu.memref_slice %arg5[%add3A, %dma_wait3A_416, %dma_wait3A_417, %dma_wait3A_418] : memref<32x3x5x128xi32, #tpu.memory_space<hbm>> -> memref<1x3x5x128xi32, #tpu.memory_space<hbm>>
      %dma_wait3A_420 = tpu.memref_squeeze %dma_wait3A_419 : memref<1x3x5x128xi32, #tpu.memory_space<hbm>> -> memref<3x5x128xi32, #tpu.memory_space<hbm>>
      tpu.wait_dma2 semaphore(%run_scoped3A_400 : memref<!tpu.dma_semaphore, #tpu.memory_space<semaphore_mem>>) src(%dma_wait3A_420 : memref<3x5x128xi32, #tpu.memory_space<hbm>>) dst(%arg7 : memref<3x5x128xi32, #tpu.memory_space<vmem>>)
      tpu.yield
    }) : () -> ()
    %dma_start3A = arith.constant 0 : i32
    %dma_start3A_1 = arith.constant 0 : i32
    %dma_start3A_2 = arith.constant 0 : i32
    %dma_start3A_3 = arith.constant 0 : i32
    %dma_start3A_4 = arith.constant 0 : i32
    %dma_start3A_5 = tpu.memref_slice %arg8[%dma_start3A_2, %dma_start3A_3, %dma_start3A_4] : memref<3x640x64xf32, #tpu.memory_space<vmem>> -> memref<1x128x64xf32, #tpu.memory_space<vmem>>
    %dma_start3A_6 = tpu.memref_squeeze %dma_start3A_5 : memref<1x128x64xf32, #tpu.memory_space<vmem>> -> memref<128x64xf32, #tpu.memory_space<vmem>>
    %dma_start3A_7 = arith.constant 0 : i32
    %dma_start3A_8 = tpu.memref_slice %arg7[%dma_start3A, %dma_start3A_1, %dma_start3A_7] : memref<3x5x128xi32, #tpu.memory_space<vmem>> -> memref<1x1x128xi32, #tpu.memory_space<vmem>>
    %dma_start3A_9 = tpu.memref_squeeze %dma_start3A_8 : memref<1x1x128xi32, #tpu.memory_space<vmem>> -> memref<128xi32, #tpu.memory_space<vmem>>
    %dma_start3A_10 = arith.constant 0 : i32
    %dma_start3A_11 = arith.constant 0 : i32
    %dma_start3A_12 = tpu.memref_slice %arg2[%dma_start3A_10, %dma_start3A_11] : memref<100000x64xf32, #tpu.memory_space<hbm>> -> memref<100000x64xf32, #tpu.memory_space<hbm>>
    tpu.enqueue_indirect_dma source(%dma_start3A_12 : memref<100000x64xf32, #tpu.memory_space<hbm>>) target(%dma_start3A_6 : memref<128x64xf32, #tpu.memory_space<vmem>>) offsets(%dma_start3A_9 : memref<128xi32, #tpu.memory_space<vmem>>) semaphore(%arg9 : memref<!tpu.dma_semaphore, #tpu.memory_space<semaphore_mem>>)
    %dma_start3A_13 = arith.constant 0 : i32
    %dma_start3A_14 = arith.constant 1 : i32
    %dma_start3A_15 = arith.constant 0 : i32
    %dma_start3A_16 = arith.constant 128 : i32
    %dma_start3A_17 = arith.constant 0 : i32
    %dma_start3A_18 = tpu.memref_slice %arg8[%dma_start3A_15, %dma_start3A_16, %dma_start3A_17] : memref<3x640x64xf32, #tpu.memory_space<vmem>> -> memref<1x128x64xf32, #tpu.memory_space<vmem>>
    %dma_start3A_19 = tpu.memref_squeeze %dma_start3A_18 : memref<1x128x64xf32, #tpu.memory_space<vmem>> -> memref<128x64xf32, #tpu.memory_space<vmem>>
    %dma_start3A_20 = arith.constant 0 : i32
    %dma_start3A_21 = tpu.memref_slice %arg7[%dma_start3A_13, %dma_start3A_14, %dma_start3A_20] : memref<3x5x128xi32, #tpu.memory_space<vmem>> -> memref<1x1x128xi32, #tpu.memory_space<vmem>>
    %dma_start3A_22 = tpu.memref_squeeze %dma_start3A_21 : memref<1x1x128xi32, #tpu.memory_space<vmem>> -> memref<128xi32, #tpu.memory_space<vmem>>
    %dma_start3A_23 = arith.constant 0 : i32
    %dma_start3A_24 = arith.constant 0 : i32
    %dma_start3A_25 = tpu.memref_slice %arg2[%dma_start3A_23, %dma_start3A_24] : memref<100000x64xf32, #tpu.memory_space<hbm>> -> memref<100000x64xf32, #tpu.memory_space<hbm>>
    tpu.enqueue_indirect_dma source(%dma_start3A_25 : memref<100000x64xf32, #tpu.memory_space<hbm>>) target(%dma_start3A_19 : memref<128x64xf32, #tpu.memory_space<vmem>>) offsets(%dma_start3A_22 : memref<128xi32, #tpu.memory_space<vmem>>) semaphore(%arg9 : memref<!tpu.dma_semaphore, #tpu.memory_space<semaphore_mem>>)
    %dma_start3A_26 = arith.constant 0 : i32
    %dma_start3A_27 = arith.constant 2 : i32
    %dma_start3A_28 = arith.constant 0 : i32
    %dma_start3A_29 = arith.constant 256 : i32
    %dma_start3A_30 = arith.constant 0 : i32
    %dma_start3A_31 = tpu.memref_slice %arg8[%dma_start3A_28, %dma_start3A_29, %dma_start3A_30] : memref<3x640x64xf32, #tpu.memory_space<vmem>> -> memref<1x128x64xf32, #tpu.memory_space<vmem>>
    %dma_start3A_32 = tpu.memref_squeeze %dma_start3A_31 : memref<1x128x64xf32, #tpu.memory_space<vmem>> -> memref<128x64xf32, #tpu.memory_space<vmem>>
    %dma_start3A_33 = arith.constant 0 : i32
    %dma_start3A_34 = tpu.memref_slice %arg7[%dma_start3A_26, %dma_start3A_27, %dma_start3A_33] : memref<3x5x128xi32, #tpu.memory_space<vmem>> -> memref<1x1x128xi32, #tpu.memory_space<vmem>>
    %dma_start3A_35 = tpu.memref_squeeze %dma_start3A_34 : memref<1x1x128xi32, #tpu.memory_space<vmem>> -> memref<128xi32, #tpu.memory_space<vmem>>
    %dma_start3A_36 = arith.constant 0 : i32
    %dma_start3A_37 = arith.constant 0 : i32
    %dma_start3A_38 = tpu.memref_slice %arg2[%dma_start3A_36, %dma_start3A_37] : memref<100000x64xf32, #tpu.memory_space<hbm>> -> memref<100000x64xf32, #tpu.memory_space<hbm>>
    tpu.enqueue_indirect_dma source(%dma_start3A_38 : memref<100000x64xf32, #tpu.memory_space<hbm>>) target(%dma_start3A_32 : memref<128x64xf32, #tpu.memory_space<vmem>>) offsets(%dma_start3A_35 : memref<128xi32, #tpu.memory_space<vmem>>) semaphore(%arg9 : memref<!tpu.dma_semaphore, #tpu.memory_space<semaphore_mem>>)
    %dma_start3A_39 = arith.constant 0 : i32
    %dma_start3A_40 = arith.constant 3 : i32
    %dma_start3A_41 = arith.constant 0 : i32
    %dma_start3A_42 = arith.constant 384 : i32
    %dma_start3A_43 = arith.constant 0 : i32
    %dma_start3A_44 = tpu.memref_slice %arg8[%dma_start3A_41, %dma_start3A_42, %dma_start3A_43] : memref<3x640x64xf32, #tpu.memory_space<vmem>> -> memref<1x128x64xf32, #tpu.memory_space<vmem>>
    %dma_start3A_45 = tpu.memref_squeeze %dma_start3A_44 : memref<1x128x64xf32, #tpu.memory_space<vmem>> -> memref<128x64xf32, #tpu.memory_space<vmem>>
    %dma_start3A_46 = arith.constant 0 : i32
    %dma_start3A_47 = tpu.memref_slice %arg7[%dma_start3A_39, %dma_start3A_40, %dma_start3A_46] : memref<3x5x128xi32, #tpu.memory_space<vmem>> -> memref<1x1x128xi32, #tpu.memory_space<vmem>>
    %dma_start3A_48 = tpu.memref_squeeze %dma_start3A_47 : memref<1x1x128xi32, #tpu.memory_space<vmem>> -> memref<128xi32, #tpu.memory_space<vmem>>
    %dma_start3A_49 = arith.constant 0 : i32
    %dma_start3A_50 = arith.constant 0 : i32
    %dma_start3A_51 = tpu.memref_slice %arg2[%dma_start3A_49, %dma_start3A_50] : memref<100000x64xf32, #tpu.memory_space<hbm>> -> memref<100000x64xf32, #tpu.memory_space<hbm>>
    tpu.enqueue_indirect_dma source(%dma_start3A_51 : memref<100000x64xf32, #tpu.memory_space<hbm>>) target(%dma_start3A_45 : memref<128x64xf32, #tpu.memory_space<vmem>>) offsets(%dma_start3A_48 : memref<128xi32, #tpu.memory_space<vmem>>) semaphore(%arg9 : memref<!tpu.dma_semaphore, #tpu.memory_space<semaphore_mem>>)
    %dma_start3A_52 = arith.constant 0 : i32
    %dma_start3A_53 = arith.constant 4 : i32
    %dma_start3A_54 = arith.constant 0 : i32
    %dma_start3A_55 = arith.constant 512 : i32
    %dma_start3A_56 = arith.constant 0 : i32
    %dma_start3A_57 = tpu.memref_slice %arg8[%dma_start3A_54, %dma_start3A_55, %dma_start3A_56] : memref<3x640x64xf32, #tpu.memory_space<vmem>> -> memref<1x128x64xf32, #tpu.memory_space<vmem>>
    %dma_start3A_58 = tpu.memref_squeeze %dma_start3A_57 : memref<1x128x64xf32, #tpu.memory_space<vmem>> -> memref<128x64xf32, #tpu.memory_space<vmem>>
    %dma_start3A_59 = arith.constant 0 : i32
    %dma_start3A_60 = tpu.memref_slice %arg7[%dma_start3A_52, %dma_start3A_53, %dma_start3A_59] : memref<3x5x128xi32, #tpu.memory_space<vmem>> -> memref<1x1x128xi32, #tpu.memory_space<vmem>>
    %dma_start3A_61 = tpu.memref_squeeze %dma_start3A_60 : memref<1x1x128xi32, #tpu.memory_space<vmem>> -> memref<128xi32, #tpu.memory_space<vmem>>
    %dma_start3A_62 = arith.constant 0 : i32
    %dma_start3A_63 = arith.constant 0 : i32
    %dma_start3A_64 = tpu.memref_slice %arg2[%dma_start3A_62, %dma_start3A_63] : memref<100000x64xf32, #tpu.memory_space<hbm>> -> memref<100000x64xf32, #tpu.memory_space<hbm>>
    tpu.enqueue_indirect_dma source(%dma_start3A_64 : memref<100000x64xf32, #tpu.memory_space<hbm>>) target(%dma_start3A_58 : memref<128x64xf32, #tpu.memory_space<vmem>>) offsets(%dma_start3A_61 : memref<128xi32, #tpu.memory_space<vmem>>) semaphore(%arg9 : memref<!tpu.dma_semaphore, #tpu.memory_space<semaphore_mem>>)
    %dma_start3A_65 = arith.constant 1 : i32
    %dma_start3A_66 = arith.constant 0 : i32
    %dma_start3A_67 = arith.constant 1 : i32
    %dma_start3A_68 = arith.constant 0 : i32
    %dma_start3A_69 = arith.constant 0 : i32
    %dma_start3A_70 = tpu.memref_slice %arg8[%dma_start3A_67, %dma_start3A_68, %dma_start3A_69] : memref<3x640x64xf32, #tpu.memory_space<vmem>> -> memref<1x128x64xf32, #tpu.memory_space<vmem>>
    %dma_start3A_71 = tpu.memref_squeeze %dma_start3A_70 : memref<1x128x64xf32, #tpu.memory_space<vmem>> -> memref<128x64xf32, #tpu.memory_space<vmem>>
    %dma_start3A_72 = arith.constant 0 : i32
    %dma_start3A_73 = tpu.memref_slice %arg7[%dma_start3A_65, %dma_start3A_66, %dma_start3A_72] : memref<3x5x128xi32, #tpu.memory_space<vmem>> -> memref<1x1x128xi32, #tpu.memory_space<vmem>>
    %dma_start3A_74 = tpu.memref_squeeze %dma_start3A_73 : memref<1x1x128xi32, #tpu.memory_space<vmem>> -> memref<128xi32, #tpu.memory_space<vmem>>
    %dma_start3A_75 = arith.constant 0 : i32
    %dma_start3A_76 = arith.constant 0 : i32
    %dma_start3A_77 = tpu.memref_slice %arg3[%dma_start3A_75, %dma_start3A_76] : memref<500x64xf32, #tpu.memory_space<hbm>> -> memref<500x64xf32, #tpu.memory_space<hbm>>
    tpu.enqueue_indirect_dma source(%dma_start3A_77 : memref<500x64xf32, #tpu.memory_space<hbm>>) target(%dma_start3A_71 : memref<128x64xf32, #tpu.memory_space<vmem>>) offsets(%dma_start3A_74 : memref<128xi32, #tpu.memory_space<vmem>>) semaphore(%arg9 : memref<!tpu.dma_semaphore, #tpu.memory_space<semaphore_mem>>)
    %dma_start3A_78 = arith.constant 1 : i32
    %dma_start3A_79 = arith.constant 1 : i32
    %dma_start3A_80 = arith.constant 1 : i32
    %dma_start3A_81 = arith.constant 128 : i32
    %dma_start3A_82 = arith.constant 0 : i32
    %dma_start3A_83 = tpu.memref_slice %arg8[%dma_start3A_80, %dma_start3A_81, %dma_start3A_82] : memref<3x640x64xf32, #tpu.memory_space<vmem>> -> memref<1x128x64xf32, #tpu.memory_space<vmem>>
    %dma_start3A_84 = tpu.memref_squeeze %dma_start3A_83 : memref<1x128x64xf32, #tpu.memory_space<vmem>> -> memref<128x64xf32, #tpu.memory_space<vmem>>
    %dma_start3A_85 = arith.constant 0 : i32
    %dma_start3A_86 = tpu.memref_slice %arg7[%dma_start3A_78, %dma_start3A_79, %dma_start3A_85] : memref<3x5x128xi32, #tpu.memory_space<vmem>> -> memref<1x1x128xi32, #tpu.memory_space<vmem>>
    %dma_start3A_87 = tpu.memref_squeeze %dma_start3A_86 : memref<1x1x128xi32, #tpu.memory_space<vmem>> -> memref<128xi32, #tpu.memory_space<vmem>>
    %dma_start3A_88 = arith.constant 0 : i32
    %dma_start3A_89 = arith.constant 0 : i32
    %dma_start3A_90 = tpu.memref_slice %arg3[%dma_start3A_88, %dma_start3A_89] : memref<500x64xf32, #tpu.memory_space<hbm>> -> memref<500x64xf32, #tpu.memory_space<hbm>>
    tpu.enqueue_indirect_dma source(%dma_start3A_90 : memref<500x64xf32, #tpu.memory_space<hbm>>) target(%dma_start3A_84 : memref<128x64xf32, #tpu.memory_space<vmem>>) offsets(%dma_start3A_87 : memref<128xi32, #tpu.memory_space<vmem>>) semaphore(%arg9 : memref<!tpu.dma_semaphore, #tpu.memory_space<semaphore_mem>>)
    %dma_start3A_91 = arith.constant 1 : i32
    %dma_start3A_92 = arith.constant 2 : i32
    %dma_start3A_93 = arith.constant 1 : i32
    %dma_start3A_94 = arith.constant 256 : i32
    %dma_start3A_95 = arith.constant 0 : i32
    %dma_start3A_96 = tpu.memref_slice %arg8[%dma_start3A_93, %dma_start3A_94, %dma_start3A_95] : memref<3x640x64xf32, #tpu.memory_space<vmem>> -> memref<1x128x64xf32, #tpu.memory_space<vmem>>
    %dma_start3A_97 = tpu.memref_squeeze %dma_start3A_96 : memref<1x128x64xf32, #tpu.memory_space<vmem>> -> memref<128x64xf32, #tpu.memory_space<vmem>>
    %dma_start3A_98 = arith.constant 0 : i32
    %dma_start3A_99 = tpu.memref_slice %arg7[%dma_start3A_91, %dma_start3A_92, %dma_start3A_98] : memref<3x5x128xi32, #tpu.memory_space<vmem>> -> memref<1x1x128xi32, #tpu.memory_space<vmem>>
    %dma_start3A_100 = tpu.memref_squeeze %dma_start3A_99 : memref<1x1x128xi32, #tpu.memory_space<vmem>> -> memref<128xi32, #tpu.memory_space<vmem>>
    %dma_start3A_101 = arith.constant 0 : i32
    %dma_start3A_102 = arith.constant 0 : i32
    %dma_start3A_103 = tpu.memref_slice %arg3[%dma_start3A_101, %dma_start3A_102] : memref<500x64xf32, #tpu.memory_space<hbm>> -> memref<500x64xf32, #tpu.memory_space<hbm>>
    tpu.enqueue_indirect_dma source(%dma_start3A_103 : memref<500x64xf32, #tpu.memory_space<hbm>>) target(%dma_start3A_97 : memref<128x64xf32, #tpu.memory_space<vmem>>) offsets(%dma_start3A_100 : memref<128xi32, #tpu.memory_space<vmem>>) semaphore(%arg9 : memref<!tpu.dma_semaphore, #tpu.memory_space<semaphore_mem>>)
    %dma_start3A_104 = arith.constant 1 : i32
    %dma_start3A_105 = arith.constant 3 : i32
    %dma_start3A_106 = arith.constant 1 : i32
    %dma_start3A_107 = arith.constant 384 : i32
    %dma_start3A_108 = arith.constant 0 : i32
    %dma_start3A_109 = tpu.memref_slice %arg8[%dma_start3A_106, %dma_start3A_107, %dma_start3A_108] : memref<3x640x64xf32, #tpu.memory_space<vmem>> -> memref<1x128x64xf32, #tpu.memory_space<vmem>>
    %dma_start3A_110 = tpu.memref_squeeze %dma_start3A_109 : memref<1x128x64xf32, #tpu.memory_space<vmem>> -> memref<128x64xf32, #tpu.memory_space<vmem>>
    %dma_start3A_111 = arith.constant 0 : i32
    %dma_start3A_112 = tpu.memref_slice %arg7[%dma_start3A_104, %dma_start3A_105, %dma_start3A_111] : memref<3x5x128xi32, #tpu.memory_space<vmem>> -> memref<1x1x128xi32, #tpu.memory_space<vmem>>
    %dma_start3A_113 = tpu.memref_squeeze %dma_start3A_112 : memref<1x1x128xi32, #tpu.memory_space<vmem>> -> memref<128xi32, #tpu.memory_space<vmem>>
    %dma_start3A_114 = arith.constant 0 : i32
    %dma_start3A_115 = arith.constant 0 : i32
    %dma_start3A_116 = tpu.memref_slice %arg3[%dma_start3A_114, %dma_start3A_115] : memref<500x64xf32, #tpu.memory_space<hbm>> -> memref<500x64xf32, #tpu.memory_space<hbm>>
    tpu.enqueue_indirect_dma source(%dma_start3A_116 : memref<500x64xf32, #tpu.memory_space<hbm>>) target(%dma_start3A_110 : memref<128x64xf32, #tpu.memory_space<vmem>>) offsets(%dma_start3A_113 : memref<128xi32, #tpu.memory_space<vmem>>) semaphore(%arg9 : memref<!tpu.dma_semaphore, #tpu.memory_space<semaphore_mem>>)
    %dma_start3A_117 = arith.constant 1 : i32
    %dma_start3A_118 = arith.constant 4 : i32
    %dma_start3A_119 = arith.constant 1 : i32
    %dma_start3A_120 = arith.constant 512 : i32
    %dma_start3A_121 = arith.constant 0 : i32
    %dma_start3A_122 = tpu.memref_slice %arg8[%dma_start3A_119, %dma_start3A_120, %dma_start3A_121] : memref<3x640x64xf32, #tpu.memory_space<vmem>> -> memref<1x128x64xf32, #tpu.memory_space<vmem>>
    %dma_start3A_123 = tpu.memref_squeeze %dma_start3A_122 : memref<1x128x64xf32, #tpu.memory_space<vmem>> -> memref<128x64xf32, #tpu.memory_space<vmem>>
    %dma_start3A_124 = arith.constant 0 : i32
    %dma_start3A_125 = tpu.memref_slice %arg7[%dma_start3A_117, %dma_start3A_118, %dma_start3A_124] : memref<3x5x128xi32, #tpu.memory_space<vmem>> -> memref<1x1x128xi32, #tpu.memory_space<vmem>>
    %dma_start3A_126 = tpu.memref_squeeze %dma_start3A_125 : memref<1x1x128xi32, #tpu.memory_space<vmem>> -> memref<128xi32, #tpu.memory_space<vmem>>
    %dma_start3A_127 = arith.constant 0 : i32
    %dma_start3A_128 = arith.constant 0 : i32
    %dma_start3A_129 = tpu.memref_slice %arg3[%dma_start3A_127, %dma_start3A_128] : memref<500x64xf32, #tpu.memory_space<hbm>> -> memref<500x64xf32, #tpu.memory_space<hbm>>
    tpu.enqueue_indirect_dma source(%dma_start3A_129 : memref<500x64xf32, #tpu.memory_space<hbm>>) target(%dma_start3A_123 : memref<128x64xf32, #tpu.memory_space<vmem>>) offsets(%dma_start3A_126 : memref<128xi32, #tpu.memory_space<vmem>>) semaphore(%arg9 : memref<!tpu.dma_semaphore, #tpu.memory_space<semaphore_mem>>)
    %dma_start3A_130 = arith.constant 2 : i32
    %dma_start3A_131 = arith.constant 0 : i32
    %dma_start3A_132 = arith.constant 2 : i32
    %dma_start3A_133 = arith.constant 0 : i32
    %dma_start3A_134 = arith.constant 0 : i32
    %dma_start3A_135 = tpu.memref_slice %arg8[%dma_start3A_132, %dma_start3A_133, %dma_start3A_134] : memref<3x640x64xf32, #tpu.memory_space<vmem>> -> memref<1x128x64xf32, #tpu.memory_space<vmem>>
    %dma_start3A_136 = tpu.memref_squeeze %dma_start3A_135 : memref<1x128x64xf32, #tpu.memory_space<vmem>> -> memref<128x64xf32, #tpu.memory_space<vmem>>
    %dma_start3A_137 = arith.constant 0 : i32
    %dma_start3A_138 = tpu.memref_slice %arg7[%dma_start3A_130, %dma_start3A_131, %dma_start3A_137] : memref<3x5x128xi32, #tpu.memory_space<vmem>> -> memref<1x1x128xi32, #tpu.memory_space<vmem>>
    %dma_start3A_139 = tpu.memref_squeeze %dma_start3A_138 : memref<1x1x128xi32, #tpu.memory_space<vmem>> -> memref<128xi32, #tpu.memory_space<vmem>>
    %dma_start3A_140 = arith.constant 0 : i32
    %dma_start3A_141 = arith.constant 0 : i32
    %dma_start3A_142 = tpu.memref_slice %arg4[%dma_start3A_140, %dma_start3A_141] : memref<500x64xf32, #tpu.memory_space<hbm>> -> memref<500x64xf32, #tpu.memory_space<hbm>>
    tpu.enqueue_indirect_dma source(%dma_start3A_142 : memref<500x64xf32, #tpu.memory_space<hbm>>) target(%dma_start3A_136 : memref<128x64xf32, #tpu.memory_space<vmem>>) offsets(%dma_start3A_139 : memref<128xi32, #tpu.memory_space<vmem>>) semaphore(%arg9 : memref<!tpu.dma_semaphore, #tpu.memory_space<semaphore_mem>>)
    %dma_start3A_143 = arith.constant 2 : i32
    %dma_start3A_144 = arith.constant 1 : i32
    %dma_start3A_145 = arith.constant 2 : i32
    %dma_start3A_146 = arith.constant 128 : i32
    %dma_start3A_147 = arith.constant 0 : i32
    %dma_start3A_148 = tpu.memref_slice %arg8[%dma_start3A_145, %dma_start3A_146, %dma_start3A_147] : memref<3x640x64xf32, #tpu.memory_space<vmem>> -> memref<1x128x64xf32, #tpu.memory_space<vmem>>
    %dma_start3A_149 = tpu.memref_squeeze %dma_start3A_148 : memref<1x128x64xf32, #tpu.memory_space<vmem>> -> memref<128x64xf32, #tpu.memory_space<vmem>>
    %dma_start3A_150 = arith.constant 0 : i32
    %dma_start3A_151 = tpu.memref_slice %arg7[%dma_start3A_143, %dma_start3A_144, %dma_start3A_150] : memref<3x5x128xi32, #tpu.memory_space<vmem>> -> memref<1x1x128xi32, #tpu.memory_space<vmem>>
    %dma_start3A_152 = tpu.memref_squeeze %dma_start3A_151 : memref<1x1x128xi32, #tpu.memory_space<vmem>> -> memref<128xi32, #tpu.memory_space<vmem>>
    %dma_start3A_153 = arith.constant 0 : i32
    %dma_start3A_154 = arith.constant 0 : i32
    %dma_start3A_155 = tpu.memref_slice %arg4[%dma_start3A_153, %dma_start3A_154] : memref<500x64xf32, #tpu.memory_space<hbm>> -> memref<500x64xf32, #tpu.memory_space<hbm>>
    tpu.enqueue_indirect_dma source(%dma_start3A_155 : memref<500x64xf32, #tpu.memory_space<hbm>>) target(%dma_start3A_149 : memref<128x64xf32, #tpu.memory_space<vmem>>) offsets(%dma_start3A_152 : memref<128xi32, #tpu.memory_space<vmem>>) semaphore(%arg9 : memref<!tpu.dma_semaphore, #tpu.memory_space<semaphore_mem>>)
    %dma_start3A_156 = arith.constant 2 : i32
    %dma_start3A_157 = arith.constant 2 : i32
    %dma_start3A_158 = arith.constant 2 : i32
    %dma_start3A_159 = arith.constant 256 : i32
    %dma_start3A_160 = arith.constant 0 : i32
    %dma_start3A_161 = tpu.memref_slice %arg8[%dma_start3A_158, %dma_start3A_159, %dma_start3A_160] : memref<3x640x64xf32, #tpu.memory_space<vmem>> -> memref<1x128x64xf32, #tpu.memory_space<vmem>>
    %dma_start3A_162 = tpu.memref_squeeze %dma_start3A_161 : memref<1x128x64xf32, #tpu.memory_space<vmem>> -> memref<128x64xf32, #tpu.memory_space<vmem>>
    %dma_start3A_163 = arith.constant 0 : i32
    %dma_start3A_164 = tpu.memref_slice %arg7[%dma_start3A_156, %dma_start3A_157, %dma_start3A_163] : memref<3x5x128xi32, #tpu.memory_space<vmem>> -> memref<1x1x128xi32, #tpu.memory_space<vmem>>
    %dma_start3A_165 = tpu.memref_squeeze %dma_start3A_164 : memref<1x1x128xi32, #tpu.memory_space<vmem>> -> memref<128xi32, #tpu.memory_space<vmem>>
    %dma_start3A_166 = arith.constant 0 : i32
    %dma_start3A_167 = arith.constant 0 : i32
    %dma_start3A_168 = tpu.memref_slice %arg4[%dma_start3A_166, %dma_start3A_167] : memref<500x64xf32, #tpu.memory_space<hbm>> -> memref<500x64xf32, #tpu.memory_space<hbm>>
    tpu.enqueue_indirect_dma source(%dma_start3A_168 : memref<500x64xf32, #tpu.memory_space<hbm>>) target(%dma_start3A_162 : memref<128x64xf32, #tpu.memory_space<vmem>>) offsets(%dma_start3A_165 : memref<128xi32, #tpu.memory_space<vmem>>) semaphore(%arg9 : memref<!tpu.dma_semaphore, #tpu.memory_space<semaphore_mem>>)
    %dma_start3A_169 = arith.constant 2 : i32
    %dma_start3A_170 = arith.constant 3 : i32
    %dma_start3A_171 = arith.constant 2 : i32
    %dma_start3A_172 = arith.constant 384 : i32
    %dma_start3A_173 = arith.constant 0 : i32
    %dma_start3A_174 = tpu.memref_slice %arg8[%dma_start3A_171, %dma_start3A_172, %dma_start3A_173] : memref<3x640x64xf32, #tpu.memory_space<vmem>> -> memref<1x128x64xf32, #tpu.memory_space<vmem>>
    %dma_start3A_175 = tpu.memref_squeeze %dma_start3A_174 : memref<1x128x64xf32, #tpu.memory_space<vmem>> -> memref<128x64xf32, #tpu.memory_space<vmem>>
    %dma_start3A_176 = arith.constant 0 : i32
    %dma_start3A_177 = tpu.memref_slice %arg7[%dma_start3A_169, %dma_start3A_170, %dma_start3A_176] : memref<3x5x128xi32, #tpu.memory_space<vmem>> -> memref<1x1x128xi32, #tpu.memory_space<vmem>>
    %dma_start3A_178 = tpu.memref_squeeze %dma_start3A_177 : memref<1x1x128xi32, #tpu.memory_space<vmem>> -> memref<128xi32, #tpu.memory_space<vmem>>
    %dma_start3A_179 = arith.constant 0 : i32
    %dma_start3A_180 = arith.constant 0 : i32
    %dma_start3A_181 = tpu.memref_slice %arg4[%dma_start3A_179, %dma_start3A_180] : memref<500x64xf32, #tpu.memory_space<hbm>> -> memref<500x64xf32, #tpu.memory_space<hbm>>
    tpu.enqueue_indirect_dma source(%dma_start3A_181 : memref<500x64xf32, #tpu.memory_space<hbm>>) target(%dma_start3A_175 : memref<128x64xf32, #tpu.memory_space<vmem>>) offsets(%dma_start3A_178 : memref<128xi32, #tpu.memory_space<vmem>>) semaphore(%arg9 : memref<!tpu.dma_semaphore, #tpu.memory_space<semaphore_mem>>)
    %dma_start3A_182 = arith.constant 2 : i32
    %dma_start3A_183 = arith.constant 4 : i32
    %dma_start3A_184 = arith.constant 2 : i32
    %dma_start3A_185 = arith.constant 512 : i32
    %dma_start3A_186 = arith.constant 0 : i32
    %dma_start3A_187 = tpu.memref_slice %arg8[%dma_start3A_184, %dma_start3A_185, %dma_start3A_186] : memref<3x640x64xf32, #tpu.memory_space<vmem>> -> memref<1x128x64xf32, #tpu.memory_space<vmem>>
    %dma_start3A_188 = tpu.memref_squeeze %dma_start3A_187 : memref<1x128x64xf32, #tpu.memory_space<vmem>> -> memref<128x64xf32, #tpu.memory_space<vmem>>
    %dma_start3A_189 = arith.constant 0 : i32
    %dma_start3A_190 = tpu.memref_slice %arg7[%dma_start3A_182, %dma_start3A_183, %dma_start3A_189] : memref<3x5x128xi32, #tpu.memory_space<vmem>> -> memref<1x1x128xi32, #tpu.memory_space<vmem>>
    %dma_start3A_191 = tpu.memref_squeeze %dma_start3A_190 : memref<1x1x128xi32, #tpu.memory_space<vmem>> -> memref<128xi32, #tpu.memory_space<vmem>>
    %dma_start3A_192 = arith.constant 0 : i32
    %dma_start3A_193 = arith.constant 0 : i32
    %dma_start3A_194 = tpu.memref_slice %arg4[%dma_start3A_192, %dma_start3A_193] : memref<500x64xf32, #tpu.memory_space<hbm>> -> memref<500x64xf32, #tpu.memory_space<hbm>>
    tpu.enqueue_indirect_dma source(%dma_start3A_194 : memref<500x64xf32, #tpu.memory_space<hbm>>) target(%dma_start3A_188 : memref<128x64xf32, #tpu.memory_space<vmem>>) offsets(%dma_start3A_191 : memref<128xi32, #tpu.memory_space<vmem>>) semaphore(%arg9 : memref<!tpu.dma_semaphore, #tpu.memory_space<semaphore_mem>>)
    %dma_wait3A = arith.constant 0 : i32
    %dma_wait3A_195 = arith.constant 0 : i32
    %dma_wait3A_196 = arith.constant 0 : i32
    %dma_wait3A_197 = arith.constant 0 : i32
    %dma_wait3A_198 = arith.constant 0 : i32
    %dma_wait3A_199 = tpu.memref_slice %arg8[%dma_wait3A_196, %dma_wait3A_197, %dma_wait3A_198] : memref<3x640x64xf32, #tpu.memory_space<vmem>> -> memref<1x128x64xf32, #tpu.memory_space<vmem>>
    %dma_wait3A_200 = tpu.memref_squeeze %dma_wait3A_199 : memref<1x128x64xf32, #tpu.memory_space<vmem>> -> memref<128x64xf32, #tpu.memory_space<vmem>>
    %dma_wait3A_201 = arith.constant 0 : i32
    %dma_wait3A_202 = tpu.memref_slice %arg7[%dma_wait3A, %dma_wait3A_195, %dma_wait3A_201] : memref<3x5x128xi32, #tpu.memory_space<vmem>> -> memref<1x1x128xi32, #tpu.memory_space<vmem>>
    %dma_wait3A_203 = tpu.memref_squeeze %dma_wait3A_202 : memref<1x1x128xi32, #tpu.memory_space<vmem>> -> memref<128xi32, #tpu.memory_space<vmem>>
    %dma_wait3A_204 = arith.constant 0 : i32
    %dma_wait3A_205 = arith.constant 0 : i32
    %dma_wait3A_206 = tpu.memref_slice %arg2[%dma_wait3A_204, %dma_wait3A_205] : memref<100000x64xf32, #tpu.memory_space<hbm>> -> memref<100000x64xf32, #tpu.memory_space<hbm>>
    tpu.wait_indirect_dma semaphore(%arg9 : memref<!tpu.dma_semaphore, #tpu.memory_space<semaphore_mem>>) src(%dma_wait3A_206 : memref<100000x64xf32, #tpu.memory_space<hbm>>) dst(%dma_wait3A_200 : memref<128x64xf32, #tpu.memory_space<vmem>>)
    %dma_wait3A_207 = arith.constant 0 : i32
    %dma_wait3A_208 = arith.constant 1 : i32
    %dma_wait3A_209 = arith.constant 0 : i32
    %dma_wait3A_210 = arith.constant 128 : i32
    %dma_wait3A_211 = arith.constant 0 : i32
    %dma_wait3A_212 = tpu.memref_slice %arg8[%dma_wait3A_209, %dma_wait3A_210, %dma_wait3A_211] : memref<3x640x64xf32, #tpu.memory_space<vmem>> -> memref<1x128x64xf32, #tpu.memory_space<vmem>>
    %dma_wait3A_213 = tpu.memref_squeeze %dma_wait3A_212 : memref<1x128x64xf32, #tpu.memory_space<vmem>> -> memref<128x64xf32, #tpu.memory_space<vmem>>
    %dma_wait3A_214 = arith.constant 0 : i32
    %dma_wait3A_215 = tpu.memref_slice %arg7[%dma_wait3A_207, %dma_wait3A_208, %dma_wait3A_214] : memref<3x5x128xi32, #tpu.memory_space<vmem>> -> memref<1x1x128xi32, #tpu.memory_space<vmem>>
    %dma_wait3A_216 = tpu.memref_squeeze %dma_wait3A_215 : memref<1x1x128xi32, #tpu.memory_space<vmem>> -> memref<128xi32, #tpu.memory_space<vmem>>
    %dma_wait3A_217 = arith.constant 0 : i32
    %dma_wait3A_218 = arith.constant 0 : i32
    %dma_wait3A_219 = tpu.memref_slice %arg2[%dma_wait3A_217, %dma_wait3A_218] : memref<100000x64xf32, #tpu.memory_space<hbm>> -> memref<100000x64xf32, #tpu.memory_space<hbm>>
    tpu.wait_indirect_dma semaphore(%arg9 : memref<!tpu.dma_semaphore, #tpu.memory_space<semaphore_mem>>) src(%dma_wait3A_219 : memref<100000x64xf32, #tpu.memory_space<hbm>>) dst(%dma_wait3A_213 : memref<128x64xf32, #tpu.memory_space<vmem>>)
    %dma_wait3A_220 = arith.constant 0 : i32
    %dma_wait3A_221 = arith.constant 2 : i32
    %dma_wait3A_222 = arith.constant 0 : i32
    %dma_wait3A_223 = arith.constant 256 : i32
    %dma_wait3A_224 = arith.constant 0 : i32
    %dma_wait3A_225 = tpu.memref_slice %arg8[%dma_wait3A_222, %dma_wait3A_223, %dma_wait3A_224] : memref<3x640x64xf32, #tpu.memory_space<vmem>> -> memref<1x128x64xf32, #tpu.memory_space<vmem>>
    %dma_wait3A_226 = tpu.memref_squeeze %dma_wait3A_225 : memref<1x128x64xf32, #tpu.memory_space<vmem>> -> memref<128x64xf32, #tpu.memory_space<vmem>>
    %dma_wait3A_227 = arith.constant 0 : i32
    %dma_wait3A_228 = tpu.memref_slice %arg7[%dma_wait3A_220, %dma_wait3A_221, %dma_wait3A_227] : memref<3x5x128xi32, #tpu.memory_space<vmem>> -> memref<1x1x128xi32, #tpu.memory_space<vmem>>
    %dma_wait3A_229 = tpu.memref_squeeze %dma_wait3A_228 : memref<1x1x128xi32, #tpu.memory_space<vmem>> -> memref<128xi32, #tpu.memory_space<vmem>>
    %dma_wait3A_230 = arith.constant 0 : i32
    %dma_wait3A_231 = arith.constant 0 : i32
    %dma_wait3A_232 = tpu.memref_slice %arg2[%dma_wait3A_230, %dma_wait3A_231] : memref<100000x64xf32, #tpu.memory_space<hbm>> -> memref<100000x64xf32, #tpu.memory_space<hbm>>
    tpu.wait_indirect_dma semaphore(%arg9 : memref<!tpu.dma_semaphore, #tpu.memory_space<semaphore_mem>>) src(%dma_wait3A_232 : memref<100000x64xf32, #tpu.memory_space<hbm>>) dst(%dma_wait3A_226 : memref<128x64xf32, #tpu.memory_space<vmem>>)
    %dma_wait3A_233 = arith.constant 0 : i32
    %dma_wait3A_234 = arith.constant 3 : i32
    %dma_wait3A_235 = arith.constant 0 : i32
    %dma_wait3A_236 = arith.constant 384 : i32
    %dma_wait3A_237 = arith.constant 0 : i32
    %dma_wait3A_238 = tpu.memref_slice %arg8[%dma_wait3A_235, %dma_wait3A_236, %dma_wait3A_237] : memref<3x640x64xf32, #tpu.memory_space<vmem>> -> memref<1x128x64xf32, #tpu.memory_space<vmem>>
    %dma_wait3A_239 = tpu.memref_squeeze %dma_wait3A_238 : memref<1x128x64xf32, #tpu.memory_space<vmem>> -> memref<128x64xf32, #tpu.memory_space<vmem>>
    %dma_wait3A_240 = arith.constant 0 : i32
    %dma_wait3A_241 = tpu.memref_slice %arg7[%dma_wait3A_233, %dma_wait3A_234, %dma_wait3A_240] : memref<3x5x128xi32, #tpu.memory_space<vmem>> -> memref<1x1x128xi32, #tpu.memory_space<vmem>>
    %dma_wait3A_242 = tpu.memref_squeeze %dma_wait3A_241 : memref<1x1x128xi32, #tpu.memory_space<vmem>> -> memref<128xi32, #tpu.memory_space<vmem>>
    %dma_wait3A_243 = arith.constant 0 : i32
    %dma_wait3A_244 = arith.constant 0 : i32
    %dma_wait3A_245 = tpu.memref_slice %arg2[%dma_wait3A_243, %dma_wait3A_244] : memref<100000x64xf32, #tpu.memory_space<hbm>> -> memref<100000x64xf32, #tpu.memory_space<hbm>>
    tpu.wait_indirect_dma semaphore(%arg9 : memref<!tpu.dma_semaphore, #tpu.memory_space<semaphore_mem>>) src(%dma_wait3A_245 : memref<100000x64xf32, #tpu.memory_space<hbm>>) dst(%dma_wait3A_239 : memref<128x64xf32, #tpu.memory_space<vmem>>)
    %dma_wait3A_246 = arith.constant 0 : i32
    %dma_wait3A_247 = arith.constant 4 : i32
    %dma_wait3A_248 = arith.constant 0 : i32
    %dma_wait3A_249 = arith.constant 512 : i32
    %dma_wait3A_250 = arith.constant 0 : i32
    %dma_wait3A_251 = tpu.memref_slice %arg8[%dma_wait3A_248, %dma_wait3A_249, %dma_wait3A_250] : memref<3x640x64xf32, #tpu.memory_space<vmem>> -> memref<1x128x64xf32, #tpu.memory_space<vmem>>
    %dma_wait3A_252 = tpu.memref_squeeze %dma_wait3A_251 : memref<1x128x64xf32, #tpu.memory_space<vmem>> -> memref<128x64xf32, #tpu.memory_space<vmem>>
    %dma_wait3A_253 = arith.constant 0 : i32
    %dma_wait3A_254 = tpu.memref_slice %arg7[%dma_wait3A_246, %dma_wait3A_247, %dma_wait3A_253] : memref<3x5x128xi32, #tpu.memory_space<vmem>> -> memref<1x1x128xi32, #tpu.memory_space<vmem>>
    %dma_wait3A_255 = tpu.memref_squeeze %dma_wait3A_254 : memref<1x1x128xi32, #tpu.memory_space<vmem>> -> memref<128xi32, #tpu.memory_space<vmem>>
    %dma_wait3A_256 = arith.constant 0 : i32
    %dma_wait3A_257 = arith.constant 0 : i32
    %dma_wait3A_258 = tpu.memref_slice %arg2[%dma_wait3A_256, %dma_wait3A_257] : memref<100000x64xf32, #tpu.memory_space<hbm>> -> memref<100000x64xf32, #tpu.memory_space<hbm>>
    tpu.wait_indirect_dma semaphore(%arg9 : memref<!tpu.dma_semaphore, #tpu.memory_space<semaphore_mem>>) src(%dma_wait3A_258 : memref<100000x64xf32, #tpu.memory_space<hbm>>) dst(%dma_wait3A_252 : memref<128x64xf32, #tpu.memory_space<vmem>>)
    %dma_wait3A_259 = arith.constant 1 : i32
    %dma_wait3A_260 = arith.constant 0 : i32
    %dma_wait3A_261 = arith.constant 1 : i32
    %dma_wait3A_262 = arith.constant 0 : i32
    %dma_wait3A_263 = arith.constant 0 : i32
    %dma_wait3A_264 = tpu.memref_slice %arg8[%dma_wait3A_261, %dma_wait3A_262, %dma_wait3A_263] : memref<3x640x64xf32, #tpu.memory_space<vmem>> -> memref<1x128x64xf32, #tpu.memory_space<vmem>>
    %dma_wait3A_265 = tpu.memref_squeeze %dma_wait3A_264 : memref<1x128x64xf32, #tpu.memory_space<vmem>> -> memref<128x64xf32, #tpu.memory_space<vmem>>
    %dma_wait3A_266 = arith.constant 0 : i32
    %dma_wait3A_267 = tpu.memref_slice %arg7[%dma_wait3A_259, %dma_wait3A_260, %dma_wait3A_266] : memref<3x5x128xi32, #tpu.memory_space<vmem>> -> memref<1x1x128xi32, #tpu.memory_space<vmem>>
    %dma_wait3A_268 = tpu.memref_squeeze %dma_wait3A_267 : memref<1x1x128xi32, #tpu.memory_space<vmem>> -> memref<128xi32, #tpu.memory_space<vmem>>
    %dma_wait3A_269 = arith.constant 0 : i32
    %dma_wait3A_270 = arith.constant 0 : i32
    %dma_wait3A_271 = tpu.memref_slice %arg3[%dma_wait3A_269, %dma_wait3A_270] : memref<500x64xf32, #tpu.memory_space<hbm>> -> memref<500x64xf32, #tpu.memory_space<hbm>>
    tpu.wait_indirect_dma semaphore(%arg9 : memref<!tpu.dma_semaphore, #tpu.memory_space<semaphore_mem>>) src(%dma_wait3A_271 : memref<500x64xf32, #tpu.memory_space<hbm>>) dst(%dma_wait3A_265 : memref<128x64xf32, #tpu.memory_space<vmem>>)
    %dma_wait3A_272 = arith.constant 1 : i32
    %dma_wait3A_273 = arith.constant 1 : i32
    %dma_wait3A_274 = arith.constant 1 : i32
    %dma_wait3A_275 = arith.constant 128 : i32
    %dma_wait3A_276 = arith.constant 0 : i32
    %dma_wait3A_277 = tpu.memref_slice %arg8[%dma_wait3A_274, %dma_wait3A_275, %dma_wait3A_276] : memref<3x640x64xf32, #tpu.memory_space<vmem>> -> memref<1x128x64xf32, #tpu.memory_space<vmem>>
    %dma_wait3A_278 = tpu.memref_squeeze %dma_wait3A_277 : memref<1x128x64xf32, #tpu.memory_space<vmem>> -> memref<128x64xf32, #tpu.memory_space<vmem>>
    %dma_wait3A_279 = arith.constant 0 : i32
    %dma_wait3A_280 = tpu.memref_slice %arg7[%dma_wait3A_272, %dma_wait3A_273, %dma_wait3A_279] : memref<3x5x128xi32, #tpu.memory_space<vmem>> -> memref<1x1x128xi32, #tpu.memory_space<vmem>>
    %dma_wait3A_281 = tpu.memref_squeeze %dma_wait3A_280 : memref<1x1x128xi32, #tpu.memory_space<vmem>> -> memref<128xi32, #tpu.memory_space<vmem>>
    %dma_wait3A_282 = arith.constant 0 : i32
    %dma_wait3A_283 = arith.constant 0 : i32
    %dma_wait3A_284 = tpu.memref_slice %arg3[%dma_wait3A_282, %dma_wait3A_283] : memref<500x64xf32, #tpu.memory_space<hbm>> -> memref<500x64xf32, #tpu.memory_space<hbm>>
    tpu.wait_indirect_dma semaphore(%arg9 : memref<!tpu.dma_semaphore, #tpu.memory_space<semaphore_mem>>) src(%dma_wait3A_284 : memref<500x64xf32, #tpu.memory_space<hbm>>) dst(%dma_wait3A_278 : memref<128x64xf32, #tpu.memory_space<vmem>>)
    %dma_wait3A_285 = arith.constant 1 : i32
    %dma_wait3A_286 = arith.constant 2 : i32
    %dma_wait3A_287 = arith.constant 1 : i32
    %dma_wait3A_288 = arith.constant 256 : i32
    %dma_wait3A_289 = arith.constant 0 : i32
    %dma_wait3A_290 = tpu.memref_slice %arg8[%dma_wait3A_287, %dma_wait3A_288, %dma_wait3A_289] : memref<3x640x64xf32, #tpu.memory_space<vmem>> -> memref<1x128x64xf32, #tpu.memory_space<vmem>>
    %dma_wait3A_291 = tpu.memref_squeeze %dma_wait3A_290 : memref<1x128x64xf32, #tpu.memory_space<vmem>> -> memref<128x64xf32, #tpu.memory_space<vmem>>
    %dma_wait3A_292 = arith.constant 0 : i32
    %dma_wait3A_293 = tpu.memref_slice %arg7[%dma_wait3A_285, %dma_wait3A_286, %dma_wait3A_292] : memref<3x5x128xi32, #tpu.memory_space<vmem>> -> memref<1x1x128xi32, #tpu.memory_space<vmem>>
    %dma_wait3A_294 = tpu.memref_squeeze %dma_wait3A_293 : memref<1x1x128xi32, #tpu.memory_space<vmem>> -> memref<128xi32, #tpu.memory_space<vmem>>
    %dma_wait3A_295 = arith.constant 0 : i32
    %dma_wait3A_296 = arith.constant 0 : i32
    %dma_wait3A_297 = tpu.memref_slice %arg3[%dma_wait3A_295, %dma_wait3A_296] : memref<500x64xf32, #tpu.memory_space<hbm>> -> memref<500x64xf32, #tpu.memory_space<hbm>>
    tpu.wait_indirect_dma semaphore(%arg9 : memref<!tpu.dma_semaphore, #tpu.memory_space<semaphore_mem>>) src(%dma_wait3A_297 : memref<500x64xf32, #tpu.memory_space<hbm>>) dst(%dma_wait3A_291 : memref<128x64xf32, #tpu.memory_space<vmem>>)
    %dma_wait3A_298 = arith.constant 1 : i32
    %dma_wait3A_299 = arith.constant 3 : i32
    %dma_wait3A_300 = arith.constant 1 : i32
    %dma_wait3A_301 = arith.constant 384 : i32
    %dma_wait3A_302 = arith.constant 0 : i32
    %dma_wait3A_303 = tpu.memref_slice %arg8[%dma_wait3A_300, %dma_wait3A_301, %dma_wait3A_302] : memref<3x640x64xf32, #tpu.memory_space<vmem>> -> memref<1x128x64xf32, #tpu.memory_space<vmem>>
    %dma_wait3A_304 = tpu.memref_squeeze %dma_wait3A_303 : memref<1x128x64xf32, #tpu.memory_space<vmem>> -> memref<128x64xf32, #tpu.memory_space<vmem>>
    %dma_wait3A_305 = arith.constant 0 : i32
    %dma_wait3A_306 = tpu.memref_slice %arg7[%dma_wait3A_298, %dma_wait3A_299, %dma_wait3A_305] : memref<3x5x128xi32, #tpu.memory_space<vmem>> -> memref<1x1x128xi32, #tpu.memory_space<vmem>>
    %dma_wait3A_307 = tpu.memref_squeeze %dma_wait3A_306 : memref<1x1x128xi32, #tpu.memory_space<vmem>> -> memref<128xi32, #tpu.memory_space<vmem>>
    %dma_wait3A_308 = arith.constant 0 : i32
    %dma_wait3A_309 = arith.constant 0 : i32
    %dma_wait3A_310 = tpu.memref_slice %arg3[%dma_wait3A_308, %dma_wait3A_309] : memref<500x64xf32, #tpu.memory_space<hbm>> -> memref<500x64xf32, #tpu.memory_space<hbm>>
    tpu.wait_indirect_dma semaphore(%arg9 : memref<!tpu.dma_semaphore, #tpu.memory_space<semaphore_mem>>) src(%dma_wait3A_310 : memref<500x64xf32, #tpu.memory_space<hbm>>) dst(%dma_wait3A_304 : memref<128x64xf32, #tpu.memory_space<vmem>>)
    %dma_wait3A_311 = arith.constant 1 : i32
    %dma_wait3A_312 = arith.constant 4 : i32
    %dma_wait3A_313 = arith.constant 1 : i32
    %dma_wait3A_314 = arith.constant 512 : i32
    %dma_wait3A_315 = arith.constant 0 : i32
    %dma_wait3A_316 = tpu.memref_slice %arg8[%dma_wait3A_313, %dma_wait3A_314, %dma_wait3A_315] : memref<3x640x64xf32, #tpu.memory_space<vmem>> -> memref<1x128x64xf32, #tpu.memory_space<vmem>>
    %dma_wait3A_317 = tpu.memref_squeeze %dma_wait3A_316 : memref<1x128x64xf32, #tpu.memory_space<vmem>> -> memref<128x64xf32, #tpu.memory_space<vmem>>
    %dma_wait3A_318 = arith.constant 0 : i32
    %dma_wait3A_319 = tpu.memref_slice %arg7[%dma_wait3A_311, %dma_wait3A_312, %dma_wait3A_318] : memref<3x5x128xi32, #tpu.memory_space<vmem>> -> memref<1x1x128xi32, #tpu.memory_space<vmem>>
    %dma_wait3A_320 = tpu.memref_squeeze %dma_wait3A_319 : memref<1x1x128xi32, #tpu.memory_space<vmem>> -> memref<128xi32, #tpu.memory_space<vmem>>
    %dma_wait3A_321 = arith.constant 0 : i32
    %dma_wait3A_322 = arith.constant 0 : i32
    %dma_wait3A_323 = tpu.memref_slice %arg3[%dma_wait3A_321, %dma_wait3A_322] : memref<500x64xf32, #tpu.memory_space<hbm>> -> memref<500x64xf32, #tpu.memory_space<hbm>>
    tpu.wait_indirect_dma semaphore(%arg9 : memref<!tpu.dma_semaphore, #tpu.memory_space<semaphore_mem>>) src(%dma_wait3A_323 : memref<500x64xf32, #tpu.memory_space<hbm>>) dst(%dma_wait3A_317 : memref<128x64xf32, #tpu.memory_space<vmem>>)
    %dma_wait3A_324 = arith.constant 2 : i32
    %dma_wait3A_325 = arith.constant 0 : i32
    %dma_wait3A_326 = arith.constant 2 : i32
    %dma_wait3A_327 = arith.constant 0 : i32
    %dma_wait3A_328 = arith.constant 0 : i32
    %dma_wait3A_329 = tpu.memref_slice %arg8[%dma_wait3A_326, %dma_wait3A_327, %dma_wait3A_328] : memref<3x640x64xf32, #tpu.memory_space<vmem>> -> memref<1x128x64xf32, #tpu.memory_space<vmem>>
    %dma_wait3A_330 = tpu.memref_squeeze %dma_wait3A_329 : memref<1x128x64xf32, #tpu.memory_space<vmem>> -> memref<128x64xf32, #tpu.memory_space<vmem>>
    %dma_wait3A_331 = arith.constant 0 : i32
    %dma_wait3A_332 = tpu.memref_slice %arg7[%dma_wait3A_324, %dma_wait3A_325, %dma_wait3A_331] : memref<3x5x128xi32, #tpu.memory_space<vmem>> -> memref<1x1x128xi32, #tpu.memory_space<vmem>>
    %dma_wait3A_333 = tpu.memref_squeeze %dma_wait3A_332 : memref<1x1x128xi32, #tpu.memory_space<vmem>> -> memref<128xi32, #tpu.memory_space<vmem>>
    %dma_wait3A_334 = arith.constant 0 : i32
    %dma_wait3A_335 = arith.constant 0 : i32
    %dma_wait3A_336 = tpu.memref_slice %arg4[%dma_wait3A_334, %dma_wait3A_335] : memref<500x64xf32, #tpu.memory_space<hbm>> -> memref<500x64xf32, #tpu.memory_space<hbm>>
    tpu.wait_indirect_dma semaphore(%arg9 : memref<!tpu.dma_semaphore, #tpu.memory_space<semaphore_mem>>) src(%dma_wait3A_336 : memref<500x64xf32, #tpu.memory_space<hbm>>) dst(%dma_wait3A_330 : memref<128x64xf32, #tpu.memory_space<vmem>>)
    %dma_wait3A_337 = arith.constant 2 : i32
    %dma_wait3A_338 = arith.constant 1 : i32
    %dma_wait3A_339 = arith.constant 2 : i32
    %dma_wait3A_340 = arith.constant 128 : i32
    %dma_wait3A_341 = arith.constant 0 : i32
    %dma_wait3A_342 = tpu.memref_slice %arg8[%dma_wait3A_339, %dma_wait3A_340, %dma_wait3A_341] : memref<3x640x64xf32, #tpu.memory_space<vmem>> -> memref<1x128x64xf32, #tpu.memory_space<vmem>>
    %dma_wait3A_343 = tpu.memref_squeeze %dma_wait3A_342 : memref<1x128x64xf32, #tpu.memory_space<vmem>> -> memref<128x64xf32, #tpu.memory_space<vmem>>
    %dma_wait3A_344 = arith.constant 0 : i32
    %dma_wait3A_345 = tpu.memref_slice %arg7[%dma_wait3A_337, %dma_wait3A_338, %dma_wait3A_344] : memref<3x5x128xi32, #tpu.memory_space<vmem>> -> memref<1x1x128xi32, #tpu.memory_space<vmem>>
    %dma_wait3A_346 = tpu.memref_squeeze %dma_wait3A_345 : memref<1x1x128xi32, #tpu.memory_space<vmem>> -> memref<128xi32, #tpu.memory_space<vmem>>
    %dma_wait3A_347 = arith.constant 0 : i32
    %dma_wait3A_348 = arith.constant 0 : i32
    %dma_wait3A_349 = tpu.memref_slice %arg4[%dma_wait3A_347, %dma_wait3A_348] : memref<500x64xf32, #tpu.memory_space<hbm>> -> memref<500x64xf32, #tpu.memory_space<hbm>>
    tpu.wait_indirect_dma semaphore(%arg9 : memref<!tpu.dma_semaphore, #tpu.memory_space<semaphore_mem>>) src(%dma_wait3A_349 : memref<500x64xf32, #tpu.memory_space<hbm>>) dst(%dma_wait3A_343 : memref<128x64xf32, #tpu.memory_space<vmem>>)
    %dma_wait3A_350 = arith.constant 2 : i32
    %dma_wait3A_351 = arith.constant 2 : i32
    %dma_wait3A_352 = arith.constant 2 : i32
    %dma_wait3A_353 = arith.constant 256 : i32
    %dma_wait3A_354 = arith.constant 0 : i32
    %dma_wait3A_355 = tpu.memref_slice %arg8[%dma_wait3A_352, %dma_wait3A_353, %dma_wait3A_354] : memref<3x640x64xf32, #tpu.memory_space<vmem>> -> memref<1x128x64xf32, #tpu.memory_space<vmem>>
    %dma_wait3A_356 = tpu.memref_squeeze %dma_wait3A_355 : memref<1x128x64xf32, #tpu.memory_space<vmem>> -> memref<128x64xf32, #tpu.memory_space<vmem>>
    %dma_wait3A_357 = arith.constant 0 : i32
    %dma_wait3A_358 = tpu.memref_slice %arg7[%dma_wait3A_350, %dma_wait3A_351, %dma_wait3A_357] : memref<3x5x128xi32, #tpu.memory_space<vmem>> -> memref<1x1x128xi32, #tpu.memory_space<vmem>>
    %dma_wait3A_359 = tpu.memref_squeeze %dma_wait3A_358 : memref<1x1x128xi32, #tpu.memory_space<vmem>> -> memref<128xi32, #tpu.memory_space<vmem>>
    %dma_wait3A_360 = arith.constant 0 : i32
    %dma_wait3A_361 = arith.constant 0 : i32
    %dma_wait3A_362 = tpu.memref_slice %arg4[%dma_wait3A_360, %dma_wait3A_361] : memref<500x64xf32, #tpu.memory_space<hbm>> -> memref<500x64xf32, #tpu.memory_space<hbm>>
    tpu.wait_indirect_dma semaphore(%arg9 : memref<!tpu.dma_semaphore, #tpu.memory_space<semaphore_mem>>) src(%dma_wait3A_362 : memref<500x64xf32, #tpu.memory_space<hbm>>) dst(%dma_wait3A_356 : memref<128x64xf32, #tpu.memory_space<vmem>>)
    %dma_wait3A_363 = arith.constant 2 : i32
    %dma_wait3A_364 = arith.constant 3 : i32
    %dma_wait3A_365 = arith.constant 2 : i32
    %dma_wait3A_366 = arith.constant 384 : i32
    %dma_wait3A_367 = arith.constant 0 : i32
    %dma_wait3A_368 = tpu.memref_slice %arg8[%dma_wait3A_365, %dma_wait3A_366, %dma_wait3A_367] : memref<3x640x64xf32, #tpu.memory_space<vmem>> -> memref<1x128x64xf32, #tpu.memory_space<vmem>>
    %dma_wait3A_369 = tpu.memref_squeeze %dma_wait3A_368 : memref<1x128x64xf32, #tpu.memory_space<vmem>> -> memref<128x64xf32, #tpu.memory_space<vmem>>
    %dma_wait3A_370 = arith.constant 0 : i32
    %dma_wait3A_371 = tpu.memref_slice %arg7[%dma_wait3A_363, %dma_wait3A_364, %dma_wait3A_370] : memref<3x5x128xi32, #tpu.memory_space<vmem>> -> memref<1x1x128xi32, #tpu.memory_space<vmem>>
    %dma_wait3A_372 = tpu.memref_squeeze %dma_wait3A_371 : memref<1x1x128xi32, #tpu.memory_space<vmem>> -> memref<128xi32, #tpu.memory_space<vmem>>
    %dma_wait3A_373 = arith.constant 0 : i32
    %dma_wait3A_374 = arith.constant 0 : i32
    %dma_wait3A_375 = tpu.memref_slice %arg4[%dma_wait3A_373, %dma_wait3A_374] : memref<500x64xf32, #tpu.memory_space<hbm>> -> memref<500x64xf32, #tpu.memory_space<hbm>>
    tpu.wait_indirect_dma semaphore(%arg9 : memref<!tpu.dma_semaphore, #tpu.memory_space<semaphore_mem>>) src(%dma_wait3A_375 : memref<500x64xf32, #tpu.memory_space<hbm>>) dst(%dma_wait3A_369 : memref<128x64xf32, #tpu.memory_space<vmem>>)
    %dma_wait3A_376 = arith.constant 2 : i32
    %dma_wait3A_377 = arith.constant 4 : i32
    %dma_wait3A_378 = arith.constant 2 : i32
    %dma_wait3A_379 = arith.constant 512 : i32
    %dma_wait3A_380 = arith.constant 0 : i32
    %dma_wait3A_381 = tpu.memref_slice %arg8[%dma_wait3A_378, %dma_wait3A_379, %dma_wait3A_380] : memref<3x640x64xf32, #tpu.memory_space<vmem>> -> memref<1x128x64xf32, #tpu.memory_space<vmem>>
    %dma_wait3A_382 = tpu.memref_squeeze %dma_wait3A_381 : memref<1x128x64xf32, #tpu.memory_space<vmem>> -> memref<128x64xf32, #tpu.memory_space<vmem>>
    %dma_wait3A_383 = arith.constant 0 : i32
    %dma_wait3A_384 = tpu.memref_slice %arg7[%dma_wait3A_376, %dma_wait3A_377, %dma_wait3A_383] : memref<3x5x128xi32, #tpu.memory_space<vmem>> -> memref<1x1x128xi32, #tpu.memory_space<vmem>>
    %dma_wait3A_385 = tpu.memref_squeeze %dma_wait3A_384 : memref<1x1x128xi32, #tpu.memory_space<vmem>> -> memref<128xi32, #tpu.memory_space<vmem>>
    %dma_wait3A_386 = arith.constant 0 : i32
    %dma_wait3A_387 = arith.constant 0 : i32
    %dma_wait3A_388 = tpu.memref_slice %arg4[%dma_wait3A_386, %dma_wait3A_387] : memref<500x64xf32, #tpu.memory_space<hbm>> -> memref<500x64xf32, #tpu.memory_space<hbm>>
    tpu.wait_indirect_dma semaphore(%arg9 : memref<!tpu.dma_semaphore, #tpu.memory_space<semaphore_mem>>) src(%dma_wait3A_388 : memref<500x64xf32, #tpu.memory_space<hbm>>) dst(%dma_wait3A_382 : memref<128x64xf32, #tpu.memory_space<vmem>>)
    %mul3A_389 = arith.constant 640 : i32
    %mul3A_390 = arith.muli %add3A, %mul3A_389 : i32
    %run_scoped3A = arith.constant 0 : i32
    %run_scoped3A_391 = arith.constant 0 : i32
    "tpu.region"() ({
      %run_scoped3A_400 = tpu.sem_alloc : memref<!tpu.dma_semaphore, #tpu.memory_space<semaphore_mem>>
      %dma_start3A_401 = arith.constant 0 : i32
      %dma_start3A_402 = arith.constant 0 : i32
      %dma_start3A_403 = tpu.memref_slice %arg8[%run_scoped3A, %dma_start3A_401, %dma_start3A_402] : memref<3x640x64xf32, #tpu.memory_space<vmem>> -> memref<1x640x64xf32, #tpu.memory_space<vmem>>
      %dma_start3A_404 = tpu.memref_squeeze %dma_start3A_403 : memref<1x640x64xf32, #tpu.memory_space<vmem>> -> memref<640x64xf32, #tpu.memory_space<vmem>>
      %dma_start3A_405 = arith.constant 0 : i32
      %dma_start3A_406 = tpu.memref_slice %arg6[%run_scoped3A_391, %mul3A_390, %dma_start3A_405] : memref<3x20480x64xf32, #tpu.memory_space<hbm>> -> memref<1x640x64xf32, #tpu.memory_space<hbm>>
      %dma_start3A_407 = tpu.memref_squeeze %dma_start3A_406 : memref<1x640x64xf32, #tpu.memory_space<hbm>> -> memref<640x64xf32, #tpu.memory_space<hbm>>
      %dma_start3A_408 = arith.constant 0 : i32
      %dma_start3A_409 = tpu.memref_slice %arg6[%run_scoped3A_391, %mul3A_390, %dma_start3A_408] : memref<3x20480x64xf32, #tpu.memory_space<hbm>> -> memref<1x640x64xf32, #tpu.memory_space<hbm>>
      %dma_start3A_410 = tpu.memref_squeeze %dma_start3A_409 : memref<1x640x64xf32, #tpu.memory_space<hbm>> -> memref<640x64xf32, #tpu.memory_space<hbm>>
      %dma_start3A_411 = arith.constant 0 : i32
      %dma_start3A_412 = arith.constant 0 : i32
      %dma_start3A_413 = tpu.memref_slice %arg8[%run_scoped3A, %dma_start3A_411, %dma_start3A_412] : memref<3x640x64xf32, #tpu.memory_space<vmem>> -> memref<1x640x64xf32, #tpu.memory_space<vmem>>
      %dma_start3A_414 = tpu.memref_squeeze %dma_start3A_413 : memref<1x640x64xf32, #tpu.memory_space<vmem>> -> memref<640x64xf32, #tpu.memory_space<vmem>>
      tpu.enqueue_dma source(%dma_start3A_414 : memref<640x64xf32, #tpu.memory_space<vmem>>) target(%dma_start3A_410 : memref<640x64xf32, #tpu.memory_space<hbm>>) target_semaphore(%run_scoped3A_400 : memref<!tpu.dma_semaphore, #tpu.memory_space<semaphore_mem>>)
      %dma_wait3A_415 = arith.constant 0 : i32
      %dma_wait3A_416 = arith.constant 0 : i32
      %dma_wait3A_417 = tpu.memref_slice %arg8[%run_scoped3A, %dma_wait3A_415, %dma_wait3A_416] : memref<3x640x64xf32, #tpu.memory_space<vmem>> -> memref<1x640x64xf32, #tpu.memory_space<vmem>>
      %dma_wait3A_418 = tpu.memref_squeeze %dma_wait3A_417 : memref<1x640x64xf32, #tpu.memory_space<vmem>> -> memref<640x64xf32, #tpu.memory_space<vmem>>
      %dma_wait3A_419 = arith.constant 0 : i32
      %dma_wait3A_420 = tpu.memref_slice %arg6[%run_scoped3A_391, %mul3A_390, %dma_wait3A_419] : memref<3x20480x64xf32, #tpu.memory_space<hbm>> -> memref<1x640x64xf32, #tpu.memory_space<hbm>>
      %dma_wait3A_421 = tpu.memref_squeeze %dma_wait3A_420 : memref<1x640x64xf32, #tpu.memory_space<hbm>> -> memref<640x64xf32, #tpu.memory_space<hbm>>
      %dma_wait3A_422 = arith.constant 0 : i32
      %dma_wait3A_423 = tpu.memref_slice %arg6[%run_scoped3A_391, %mul3A_390, %dma_wait3A_422] : memref<3x20480x64xf32, #tpu.memory_space<hbm>> -> memref<1x640x64xf32, #tpu.memory_space<hbm>>
      %dma_wait3A_424 = tpu.memref_squeeze %dma_wait3A_423 : memref<1x640x64xf32, #tpu.memory_space<hbm>> -> memref<640x64xf32, #tpu.memory_space<hbm>>
      %dma_wait3A_425 = arith.constant 0 : i32
      %dma_wait3A_426 = arith.constant 0 : i32
      %dma_wait3A_427 = tpu.memref_slice %arg8[%run_scoped3A, %dma_wait3A_425, %dma_wait3A_426] : memref<3x640x64xf32, #tpu.memory_space<vmem>> -> memref<1x640x64xf32, #tpu.memory_space<vmem>>
      %dma_wait3A_428 = tpu.memref_squeeze %dma_wait3A_427 : memref<1x640x64xf32, #tpu.memory_space<vmem>> -> memref<640x64xf32, #tpu.memory_space<vmem>>
      tpu.wait_dma2 semaphore(%run_scoped3A_400 : memref<!tpu.dma_semaphore, #tpu.memory_space<semaphore_mem>>) src(%dma_wait3A_428 : memref<640x64xf32, #tpu.memory_space<vmem>>) dst(%dma_wait3A_424 : memref<640x64xf32, #tpu.memory_space<hbm>>)
      tpu.yield
    }) : () -> ()
    %mul3A_392 = arith.constant 640 : i32
    %mul3A_393 = arith.muli %add3A, %mul3A_392 : i32
    %run_scoped3A_394 = arith.constant 1 : i32
    %run_scoped3A_395 = arith.constant 1 : i32
    "tpu.region"() ({
      %run_scoped3A_400 = tpu.sem_alloc : memref<!tpu.dma_semaphore, #tpu.memory_space<semaphore_mem>>
      %dma_start3A_401 = arith.constant 0 : i32
      %dma_start3A_402 = arith.constant 0 : i32
      %dma_start3A_403 = tpu.memref_slice %arg8[%run_scoped3A_394, %dma_start3A_401, %dma_start3A_402] : memref<3x640x64xf32, #tpu.memory_space<vmem>> -> memref<1x640x64xf32, #tpu.memory_space<vmem>>
      %dma_start3A_404 = tpu.memref_squeeze %dma_start3A_403 : memref<1x640x64xf32, #tpu.memory_space<vmem>> -> memref<640x64xf32, #tpu.memory_space<vmem>>
      %dma_start3A_405 = arith.constant 0 : i32
      %dma_start3A_406 = tpu.memref_slice %arg6[%run_scoped3A_395, %mul3A_393, %dma_start3A_405] : memref<3x20480x64xf32, #tpu.memory_space<hbm>> -> memref<1x640x64xf32, #tpu.memory_space<hbm>>
      %dma_start3A_407 = tpu.memref_squeeze %dma_start3A_406 : memref<1x640x64xf32, #tpu.memory_space<hbm>> -> memref<640x64xf32, #tpu.memory_space<hbm>>
      %dma_start3A_408 = arith.constant 0 : i32
      %dma_start3A_409 = tpu.memref_slice %arg6[%run_scoped3A_395, %mul3A_393, %dma_start3A_408] : memref<3x20480x64xf32, #tpu.memory_space<hbm>> -> memref<1x640x64xf32, #tpu.memory_space<hbm>>
      %dma_start3A_410 = tpu.memref_squeeze %dma_start3A_409 : memref<1x640x64xf32, #tpu.memory_space<hbm>> -> memref<640x64xf32, #tpu.memory_space<hbm>>
      %dma_start3A_411 = arith.constant 0 : i32
      %dma_start3A_412 = arith.constant 0 : i32
      %dma_start3A_413 = tpu.memref_slice %arg8[%run_scoped3A_394, %dma_start3A_411, %dma_start3A_412] : memref<3x640x64xf32, #tpu.memory_space<vmem>> -> memref<1x640x64xf32, #tpu.memory_space<vmem>>
      %dma_start3A_414 = tpu.memref_squeeze %dma_start3A_413 : memref<1x640x64xf32, #tpu.memory_space<vmem>> -> memref<640x64xf32, #tpu.memory_space<vmem>>
      tpu.enqueue_dma source(%dma_start3A_414 : memref<640x64xf32, #tpu.memory_space<vmem>>) target(%dma_start3A_410 : memref<640x64xf32, #tpu.memory_space<hbm>>) target_semaphore(%run_scoped3A_400 : memref<!tpu.dma_semaphore, #tpu.memory_space<semaphore_mem>>)
      %dma_wait3A_415 = arith.constant 0 : i32
      %dma_wait3A_416 = arith.constant 0 : i32
      %dma_wait3A_417 = tpu.memref_slice %arg8[%run_scoped3A_394, %dma_wait3A_415, %dma_wait3A_416] : memref<3x640x64xf32, #tpu.memory_space<vmem>> -> memref<1x640x64xf32, #tpu.memory_space<vmem>>
      %dma_wait3A_418 = tpu.memref_squeeze %dma_wait3A_417 : memref<1x640x64xf32, #tpu.memory_space<vmem>> -> memref<640x64xf32, #tpu.memory_space<vmem>>
      %dma_wait3A_419 = arith.constant 0 : i32
      %dma_wait3A_420 = tpu.memref_slice %arg6[%run_scoped3A_395, %mul3A_393, %dma_wait3A_419] : memref<3x20480x64xf32, #tpu.memory_space<hbm>> -> memref<1x640x64xf32, #tpu.memory_space<hbm>>
      %dma_wait3A_421 = tpu.memref_squeeze %dma_wait3A_420 : memref<1x640x64xf32, #tpu.memory_space<hbm>> -> memref<640x64xf32, #tpu.memory_space<hbm>>
      %dma_wait3A_422 = arith.constant 0 : i32
      %dma_wait3A_423 = tpu.memref_slice %arg6[%run_scoped3A_395, %mul3A_393, %dma_wait3A_422] : memref<3x20480x64xf32, #tpu.memory_space<hbm>> -> memref<1x640x64xf32, #tpu.memory_space<hbm>>
      %dma_wait3A_424 = tpu.memref_squeeze %dma_wait3A_423 : memref<1x640x64xf32, #tpu.memory_space<hbm>> -> memref<640x64xf32, #tpu.memory_space<hbm>>
      %dma_wait3A_425 = arith.constant 0 : i32
      %dma_wait3A_426 = arith.constant 0 : i32
      %dma_wait3A_427 = tpu.memref_slice %arg8[%run_scoped3A_394, %dma_wait3A_425, %dma_wait3A_426] : memref<3x640x64xf32, #tpu.memory_space<vmem>> -> memref<1x640x64xf32, #tpu.memory_space<vmem>>
      %dma_wait3A_428 = tpu.memref_squeeze %dma_wait3A_427 : memref<1x640x64xf32, #tpu.memory_space<vmem>> -> memref<640x64xf32, #tpu.memory_space<vmem>>
      tpu.wait_dma2 semaphore(%run_scoped3A_400 : memref<!tpu.dma_semaphore, #tpu.memory_space<semaphore_mem>>) src(%dma_wait3A_428 : memref<640x64xf32, #tpu.memory_space<vmem>>) dst(%dma_wait3A_424 : memref<640x64xf32, #tpu.memory_space<hbm>>)
      tpu.yield
    }) : () -> ()
    %mul3A_396 = arith.constant 640 : i32
    %mul3A_397 = arith.muli %add3A, %mul3A_396 : i32
    %run_scoped3A_398 = arith.constant 2 : i32
    %run_scoped3A_399 = arith.constant 2 : i32
    "tpu.region"() ({
      %run_scoped3A_400 = tpu.sem_alloc : memref<!tpu.dma_semaphore, #tpu.memory_space<semaphore_mem>>
      %dma_start3A_401 = arith.constant 0 : i32
      %dma_start3A_402 = arith.constant 0 : i32
      %dma_start3A_403 = tpu.memref_slice %arg8[%run_scoped3A_398, %dma_start3A_401, %dma_start3A_402] : memref<3x640x64xf32, #tpu.memory_space<vmem>> -> memref<1x640x64xf32, #tpu.memory_space<vmem>>
      %dma_start3A_404 = tpu.memref_squeeze %dma_start3A_403 : memref<1x640x64xf32, #tpu.memory_space<vmem>> -> memref<640x64xf32, #tpu.memory_space<vmem>>
      %dma_start3A_405 = arith.constant 0 : i32
      %dma_start3A_406 = tpu.memref_slice %arg6[%run_scoped3A_399, %mul3A_397, %dma_start3A_405] : memref<3x20480x64xf32, #tpu.memory_space<hbm>> -> memref<1x640x64xf32, #tpu.memory_space<hbm>>
      %dma_start3A_407 = tpu.memref_squeeze %dma_start3A_406 : memref<1x640x64xf32, #tpu.memory_space<hbm>> -> memref<640x64xf32, #tpu.memory_space<hbm>>
      %dma_start3A_408 = arith.constant 0 : i32
      %dma_start3A_409 = tpu.memref_slice %arg6[%run_scoped3A_399, %mul3A_397, %dma_start3A_408] : memref<3x20480x64xf32, #tpu.memory_space<hbm>> -> memref<1x640x64xf32, #tpu.memory_space<hbm>>
      %dma_start3A_410 = tpu.memref_squeeze %dma_start3A_409 : memref<1x640x64xf32, #tpu.memory_space<hbm>> -> memref<640x64xf32, #tpu.memory_space<hbm>>
      %dma_start3A_411 = arith.constant 0 : i32
      %dma_start3A_412 = arith.constant 0 : i32
      %dma_start3A_413 = tpu.memref_slice %arg8[%run_scoped3A_398, %dma_start3A_411, %dma_start3A_412] : memref<3x640x64xf32, #tpu.memory_space<vmem>> -> memref<1x640x64xf32, #tpu.memory_space<vmem>>
      %dma_start3A_414 = tpu.memref_squeeze %dma_start3A_413 : memref<1x640x64xf32, #tpu.memory_space<vmem>> -> memref<640x64xf32, #tpu.memory_space<vmem>>
      tpu.enqueue_dma source(%dma_start3A_414 : memref<640x64xf32, #tpu.memory_space<vmem>>) target(%dma_start3A_410 : memref<640x64xf32, #tpu.memory_space<hbm>>) target_semaphore(%run_scoped3A_400 : memref<!tpu.dma_semaphore, #tpu.memory_space<semaphore_mem>>)
      %dma_wait3A_415 = arith.constant 0 : i32
      %dma_wait3A_416 = arith.constant 0 : i32
      %dma_wait3A_417 = tpu.memref_slice %arg8[%run_scoped3A_398, %dma_wait3A_415, %dma_wait3A_416] : memref<3x640x64xf32, #tpu.memory_space<vmem>> -> memref<1x640x64xf32, #tpu.memory_space<vmem>>
      %dma_wait3A_418 = tpu.memref_squeeze %dma_wait3A_417 : memref<1x640x64xf32, #tpu.memory_space<vmem>> -> memref<640x64xf32, #tpu.memory_space<vmem>>
      %dma_wait3A_419 = arith.constant 0 : i32
      %dma_wait3A_420 = tpu.memref_slice %arg6[%run_scoped3A_399, %mul3A_397, %dma_wait3A_419] : memref<3x20480x64xf32, #tpu.memory_space<hbm>> -> memref<1x640x64xf32, #tpu.memory_space<hbm>>
      %dma_wait3A_421 = tpu.memref_squeeze %dma_wait3A_420 : memref<1x640x64xf32, #tpu.memory_space<hbm>> -> memref<640x64xf32, #tpu.memory_space<hbm>>
      %dma_wait3A_422 = arith.constant 0 : i32
      %dma_wait3A_423 = tpu.memref_slice %arg6[%run_scoped3A_399, %mul3A_397, %dma_wait3A_422] : memref<3x20480x64xf32, #tpu.memory_space<hbm>> -> memref<1x640x64xf32, #tpu.memory_space<hbm>>
      %dma_wait3A_424 = tpu.memref_squeeze %dma_wait3A_423 : memref<1x640x64xf32, #tpu.memory_space<hbm>> -> memref<640x64xf32, #tpu.memory_space<hbm>>
      %dma_wait3A_425 = arith.constant 0 : i32
      %dma_wait3A_426 = arith.constant 0 : i32
      %dma_wait3A_427 = tpu.memref_slice %arg8[%run_scoped3A_398, %dma_wait3A_425, %dma_wait3A_426] : memref<3x640x64xf32, #tpu.memory_space<vmem>> -> memref<1x640x64xf32, #tpu.memory_space<vmem>>
      %dma_wait3A_428 = tpu.memref_squeeze %dma_wait3A_427 : memref<1x640x64xf32, #tpu.memory_space<vmem>> -> memref<640x64xf32, #tpu.memory_space<vmem>>
      tpu.wait_dma2 semaphore(%run_scoped3A_400 : memref<!tpu.dma_semaphore, #tpu.memory_space<semaphore_mem>>) src(%dma_wait3A_428 : memref<640x64xf32, #tpu.memory_space<vmem>>) dst(%dma_wait3A_424 : memref<640x64xf32, #tpu.memory_space<hbm>>)
      tpu.yield
    }) : () -> ()
    return
  }
}

module attributes {stable_mosaic.version = 14 : i64} {
  func.func @_mlp_body(%arg0: i32, %arg1: memref<3x512x320xf32, #tpu.memory_space<vmem>>, %arg2: memref<320x1024xf32, #tpu.memory_space<vmem>>, %arg3: memref<1x1024xf32, #tpu.memory_space<vmem>>, %arg4: memref<1024x64xf32, #tpu.memory_space<vmem>>, %arg5: memref<1x64xf32, #tpu.memory_space<vmem>>, %arg6: memref<512x64xf32, #tpu.memory_space<vmem>>) attributes {dimension_semantics = [#tpu.dimension_semantics<arbitrary>], iteration_bounds = array<i64: 8>, scalar_prefetch = 0 : i64, scratch_operands = 0 : i64, tpu.core_type = #tpu.core_type<tc>, window_params = [{transform_indices = @transform_0, window_bounds = array<i64: 3, 512, 320>}, {pipeline_mode = #tpu.pipeline_mode<synchronous>, transform_indices = @transform_1, window_bounds = array<i64: 320, 1024>}, {pipeline_mode = #tpu.pipeline_mode<synchronous>, transform_indices = @transform_2, window_bounds = array<i64: 1, 1024>}, {pipeline_mode = #tpu.pipeline_mode<synchronous>, transform_indices = @transform_3, window_bounds = array<i64: 1024, 64>}, {pipeline_mode = #tpu.pipeline_mode<synchronous>, transform_indices = @transform_4, window_bounds = array<i64: 1, 64>}, {transform_indices = @transform_5, window_bounds = array<i64: 512, 64>}]} {
    %get3A = arith.constant 0 : index
    %get3A_0 = arith.constant 0 : index
    %get3A_1 = arith.constant 0 : index
    %get3A_2 = vector.load %arg1[%get3A, %get3A_0, %get3A_1] : memref<3x512x320xf32, #tpu.memory_space<vmem>>, vector<1x512x320xf32>
    %get3A_3 = vector.shape_cast %get3A_2 : vector<1x512x320xf32> to vector<512x320xf32>
    %get3A_4 = arith.constant 1 : index
    %get3A_5 = arith.constant 0 : index
    %get3A_6 = arith.constant 0 : index
    %get3A_7 = vector.load %arg1[%get3A_4, %get3A_5, %get3A_6] : memref<3x512x320xf32, #tpu.memory_space<vmem>>, vector<1x512x320xf32>
    %get3A_8 = vector.shape_cast %get3A_7 : vector<1x512x320xf32> to vector<512x320xf32>
    %add3A = arith.addf %get3A_3, %get3A_8 : vector<512x320xf32>
    %get3A_9 = arith.constant 2 : index
    %get3A_10 = arith.constant 0 : index
    %get3A_11 = arith.constant 0 : index
    %get3A_12 = vector.load %arg1[%get3A_9, %get3A_10, %get3A_11] : memref<3x512x320xf32, #tpu.memory_space<vmem>>, vector<1x512x320xf32>
    %get3A_13 = vector.shape_cast %get3A_12 : vector<1x512x320xf32> to vector<512x320xf32>
    %add3A_14 = arith.addf %add3A, %get3A_13 : vector<512x320xf32>
    %get3A_15 = arith.constant 0 : index
    %get3A_16 = arith.constant 0 : index
    %get3A_17 = vector.load %arg2[%get3A_15, %get3A_16] : memref<320x1024xf32, #tpu.memory_space<vmem>>, vector<320x1024xf32>
    %dot_general3A = arith.constant dense<0.000000e+00> : vector<512x1024xf32>
    %dot_general3A_18 = tpu.matmul %add3A_14, %get3A_17, %dot_general3A {dimension_numbers = #tpu.dot_dimension_numbers<[1], [0], [0], [1], [0, 0, 1, 1], [], []>, transpose_lhs_hint = false} : vector<512x320xf32>, vector<320x1024xf32>, vector<512x1024xf32> -> vector<512x1024xf32>
    %get3A_19 = arith.constant 0 : index
    %get3A_20 = arith.constant 0 : index
    %get3A_21 = vector.load %arg3[%get3A_19, %get3A_20] : memref<1x1024xf32, #tpu.memory_space<vmem>>, vector<1x1024xf32>
    %add3A_22 = vector.broadcast %get3A_21 : vector<1x1024xf32> to vector<512x1024xf32>
    %add3A_23 = arith.addf %dot_general3A_18, %add3A_22 : vector<512x1024xf32>
    %tanh3A = math.tanh %add3A_23 : vector<512x1024xf32>
    %get3A_24 = arith.constant 0 : index
    %get3A_25 = arith.constant 0 : index
    %get3A_26 = vector.load %arg4[%get3A_24, %get3A_25] : memref<1024x64xf32, #tpu.memory_space<vmem>>, vector<1024x64xf32>
    %dot_general3A_27 = arith.constant dense<0.000000e+00> : vector<512x64xf32>
    %dot_general3A_28 = tpu.matmul %tanh3A, %get3A_26, %dot_general3A_27 {dimension_numbers = #tpu.dot_dimension_numbers<[1], [0], [0], [1], [0, 0, 1, 1], [], []>, transpose_lhs_hint = false} : vector<512x1024xf32>, vector<1024x64xf32>, vector<512x64xf32> -> vector<512x64xf32>
    %get3A_29 = arith.constant 0 : index
    %get3A_30 = arith.constant 0 : index
    %get3A_31 = vector.load %arg5[%get3A_29, %get3A_30] : memref<1x64xf32, #tpu.memory_space<vmem>>, vector<1x64xf32>
    %add3A_32 = vector.broadcast %get3A_31 : vector<1x64xf32> to vector<512x64xf32>
    %add3A_33 = arith.addf %dot_general3A_28, %add3A_32 : vector<512x64xf32>
    %swap3A = arith.constant 0 : index
    %swap3A_34 = arith.constant 0 : index
    %swap3A_35 = vector.load %arg6[%swap3A, %swap3A_34] : memref<512x64xf32, #tpu.memory_space<vmem>>, vector<512x64xf32>
    tpu.vector_store %arg6[%swap3A, %swap3A_34], %add3A_33 {strides = array<i32>} : memref<512x64xf32, #tpu.memory_space<vmem>>, vector<512x64xf32>,
    return
  }
  func.func @transform_0(%arg0: i32) -> (i32, i32, i32) {
    %c0_i32 = arith.constant 0 : i32
    %c0_i32_0 = arith.constant 0 : i32
    %c0_i32_1 = arith.constant 0 : i32
    return %c0_i32, %arg0, %c0_i32_0 : i32, i32, i32
  }
  func.func @transform_1(%arg0: i32) -> (i32, i32) {
    %c0_i32 = arith.constant 0 : i32
    %c0_i32_0 = arith.constant 0 : i32
    %c0_i32_1 = arith.constant 0 : i32
    return %c0_i32, %c0_i32_0 : i32, i32
  }
  func.func @transform_2(%arg0: i32) -> (i32, i32) {
    %c0_i32 = arith.constant 0 : i32
    %c0_i32_0 = arith.constant 0 : i32
    %c0_i32_1 = arith.constant 0 : i32
    return %c0_i32, %c0_i32_0 : i32, i32
  }
  func.func @transform_3(%arg0: i32) -> (i32, i32) {
    %c0_i32 = arith.constant 0 : i32
    %c0_i32_0 = arith.constant 0 : i32
    %c0_i32_1 = arith.constant 0 : i32
    return %c0_i32, %c0_i32_0 : i32, i32
  }
  func.func @transform_4(%arg0: i32) -> (i32, i32) {
    %c0_i32 = arith.constant 0 : i32
    %c0_i32_0 = arith.constant 0 : i32
    %c0_i32_1 = arith.constant 0 : i32
    return %c0_i32, %c0_i32_0 : i32, i32
  }
  func.func @transform_5(%arg0: i32) -> (i32, i32) {
    %c0_i32 = arith.constant 0 : i32
    %c0_i32_0 = arith.constant 0 : i32
    return %arg0, %c0_i32 : i32, i32
  }
}

</mosaic_0001>

<sc_bundles>
// kernel: kernel.4.cloned.1.call-start
scs
__scs_entry_jumppad:
0x0: {  	(pc) =	sbr.rel $0x88, $3  }
0x1: {  	(tag) =	ssettag $0x0;
	lr =	simm.s32 $0x1  }
0x2: {  	[smem:$0x3F99] =	sst lr;
	_ =	strace $0xD0000000  }
0x3: {  	_ = 	snop  }
0x4: {  	_ = 	snop  }
0x5: {  	_ = 	snop  }
0x6: {  	_ = 	snop  }
0x7: {  	_ = 	snop  }
__scs_overlays_trampoline_lowered:
0x8: {  	[smem:$0x3FA8] =	sst s0  }
0x9: {  	[smem:$0x3FA9] =	sst s1  }
0xa: {  	[smem:$0x3FAA] =	sst s2  }
0xb: {  	[smem:$0x3FAB] =	sst s3  }
0xc: {  	[smem:$0x3FAC] =	sst s4  }
0xd: {  	[smem:$0x3FAD] =	sst s5  }
0xe: {  	[smem:$0x3FAE] =	sst s6  }
0xf: {  	[smem:$0x3FAF] =	sst s7  }
0x10: {  	[smem:$0x3FB0] =	sst s8  }
0x11: {  	[smem:$0x3FB1] =	sst s9;
	s0 =	simm.s32 @!p0 $0x0  }
0x12: {  	s1 =	sld [smem:$0x3F97];
	s0 =	simm.s32 @p0 $0x1  }
0x13: {  	[smem:$0x3FB2] =	sst s0;
	s0 =	simm.s32 @!p1 $0x0  }
0x14: {  	s2 =	sld [smem:$0x3F96];
	s0 =	simm.s32 @p1 $0x1  }
0x15: {  	[smem:$0x3FB3] =	sst s0;
	s0 =	simm.s32 @!p2 $0x0  }
0x16: {  	s3 =	sld [smem:$0x3FDB];
	s0 =	simm.s32 @p2 $0x1  }
0x17: {  	s4 =	simm.s32 $0x1BF5;
	[smem:$0x3FB5] =	sst s0  }
0x18: {  	s0 =	sld [smem:$0x3F98];
	_ =	swait.ge [sflag:s4], $0x0  }
0x19: {  	s7 =	sld [smem:$0x3F99]  }
0x1a: {  	s8 =	sadd.s32 $0xFFFFE003, lr  }
0x1b: {  	s9 =	sadd.s32 $0xFFFFFEF7, lr;
	s5 =	simm.s32 $0xFFFFFFFF;
	p2 =	slt.u32 s8, $0xFFFFF086  }
0x1c: {  	p1 =	slt.u32 s9, $0xF7A;
	s5 =	simm.s32 @!p2 $0x0  }
0x1d: {  	s5 =	simm.s32 @p1 $0x1;
	p0 =	seq.s32 s7, s2  }
0x1e: {  	s7 =	smul.u32 @!p0 $0xF7A, s2;
	p2 =	seq.s32 @!p0 s5, $0x0  }
0x1f: {  	s9 =	smul.u32 $0xF7A, s1;
	s8 =	simm.s32 @!p0 $0x1BF5;
	p2 =	por !p2, p0  }
0x20: {  	[sflag:s8] =	ssyncset.s32 @!p0 $0xFFFFF086;
	s6 =	sadd.s32 @!p0 s3, s7;
	s7 =	simm.s32 @!p0 $0x108  }
0x21: {  	s3 =	sadd.s32 s3, s9;
	s6 =	sadd.s32 @!p0 $0x88, s6;
	s7 =	simm.s32 @p2 $0x1082  }
0x22: {  	[simem:s7], [sflag:s8] =	dma.local @!p0 [hbm:s6], $0xF7A  }
0x23: {  	s9 =	sor.u32 $0xD0000000, s2;
	s6 =	simm.s32 $0x108;
	_ =	swait.ge @!p0 [sflag:s8], $0x0  }
0x24: {  	s3 =	sadd.s32 $0x88, s3;
	s6 =	simm.s32 @!p1 $0x1082;
	[sflag:s4] =	ssyncset.s32 $0xFFFFF086  }
0x25: {  	[simem:s6], [sflag:s4] =	dma.local [hbm:s3], $0xF7A  }
0x26: {  	[smem:$0x3F99] =	sst s1;
	(tag) =	ssettag s2;
	_ =	strace s9  }
0x27: {  	s1 =	sld [smem:$0x3FA9]  }
0x28: {  	s2 =	sld [smem:$0x3FAA]  }
0x29: {  	s4 =	sld [smem:$0x3FAC]  }
0x2a: {  	p0 =	seq.s32 s5, $0x0;
	s5 =	sld [smem:$0x3FAD]  }
0x2b: {  	s6 =	sld [smem:$0x3FAE]  }
0x2c: {  	s7 =	sld [smem:$0x3FAF]  }
0x2d: {  	s3 =	simm.s32 $0x108;
	s8 =	sld [smem:$0x3FB0]  }
0x2e: {  	s3 =	simm.s32 @!p0 $0x1082;
	s9 =	sld [smem:$0x3FB1]  }
0x2f: {  	lr =	sadd.s32 s0, s3;
	s0 =	sld [smem:$0x3FA8]  }
0x30: {  	s3 =	sld [smem:$0x3FAB]  }
0x31: {  	[smem:$0x3FB4] =	sst s10  }
0x32: {  	s10 =	sld [smem:$0x3FB2];
	_ =	sdelay $0x3  }
0x33: {  	p0 =	seq.s32 s10, $0x1;
	s10 =	sld [smem:$0x3FB4];
	_ =	sdelay $0x3  }
0x34: {  	[smem:$0x3FB4] =	sst s10  }
0x35: {  	s10 =	sld [smem:$0x3FB3];
	_ =	sdelay $0x3  }
0x36: {  	p1 =	seq.s32 s10, $0x1;
	s10 =	sld [smem:$0x3FB4];
	_ =	sdelay $0x3  }
0x37: {  	[smem:$0x3FB4] =	sst s10  }
0x38: {  	s10 =	sld [smem:$0x3FB5]  }
0x39: {  	_ = 	snop;
	(pc) =	sbr.ind lr, $3  }
0x3a: {  	_ = 	snop  }
0x3b: {  	_ = 	snop  }
0x3c: {  	p2 =	seq.s32 s10, $0x1;
	s10 =	sld [smem:$0x3FB4]  }
0x3d: {  	_ =	shalt  }
0x3e: {  	_ =	shalt  }
0x3f: {  	_ =	shalt  }
0x40: {  	_ =	shalt  }
0x41: {  	_ =	shalt  }
0x42: {  	_ =	shalt  }
0x43: {  	_ =	shalt  }
0x44: {  	_ =	shalt  }
0x45: {  	_ =	shalt  }
0x46: {  	_ =	shalt  }
0x47: {  	_ =	shalt  }
0x48: {  	_ =	shalt  }
0x49: {  	_ =	shalt  }
0x4a: {  	_ =	shalt  }
0x4b: {  	_ =	shalt  }
0x4c: {  	_ =	shalt  }
0x4d: {  	_ =	shalt  }
0x4e: {  	_ =	shalt  }
0x4f: {  	_ =	shalt  }
0x50: {  	_ =	shalt  }
0x51: {  	_ =	shalt  }
0x52: {  	_ =	shalt  }
0x53: {  	_ =	shalt  }
0x54: {  	_ =	shalt  }
0x55: {  	_ =	shalt  }
0x56: {  	_ =	shalt  }
0x57: {  	_ =	shalt  }
0x58: {  	_ =	shalt  }
0x59: {  	_ =	shalt  }
0x5a: {  	_ =	shalt  }
0x5b: {  	_ =	shalt  }
0x5c: {  	_ =	shalt  }
0x5d: {  	_ =	shalt  }
0x5e: {  	_ =	shalt  }
0x5f: {  	_ =	shalt  }
0x60: {  	_ =	shalt  }
0x61: {  	_ =	shalt  }
0x62: {  	_ =	shalt  }
0x63: {  	_ =	shalt  }
0x64: {  	_ =	shalt  }
0x65: {  	_ =	shalt  }
0x66: {  	_ =	shalt  }
0x67: {  	_ =	shalt  }
0x68: {  	_ =	shalt  }
0x69: {  	_ =	shalt  }
0x6a: {  	_ =	shalt  }
0x6b: {  	_ =	shalt  }
0x6c: {  	_ =	shalt  }
0x6d: {  	_ =	shalt  }
0x6e: {  	_ =	shalt  }
0x6f: {  	_ =	shalt  }
0x70: {  	_ =	shalt  }
0x71: {  	_ =	shalt  }
0x72: {  	_ =	shalt  }
0x73: {  	_ =	shalt  }
0x74: {  	_ =	shalt  }
0x75: {  	_ =	shalt  }
0x76: {  	_ =	shalt  }
0x77: {  	_ =	shalt  }
0x78: {  	_ =	shalt  }
0x79: {  	_ =	shalt  }
0x7a: {  	_ =	shalt  }
0x7b: {  	_ =	shalt  }
0x7c: {  	_ =	shalt  }
0x7d: {  	_ =	shalt  }
0x7e: {  	_ =	shalt  }
0x7f: {  	_ =	shalt  }
0x80: {  	_ =	shalt  }
0x81: {  	_ =	shalt  }
0x82: {  	_ =	shalt  }
0x83: {  	_ =	shalt  }
0x84: {  	_ =	shalt  }
0x85: {  	_ =	shalt  }
0x86: {  	_ =	shalt  }
0x87: {  	_ =	shalt  }
.Lfunc_end0:
.L_simem_size_0:
called_computation_lowered:
.L_overlay_start_0:
0x88: {  	s2 =	sld [smem:$0x3FD9]  }
0x89: {  	s3 =	sld [smem:$0x3FFE];
	_ =	sdelay $0x1  }
0x8a: {  	s1 =	srdreg.scid  }
0x8b: {  	s0 =	sand.u32 $0x1, s1  }
0x8c: {  	s17 =	sshll.u32 s0, $0xA;
	s2 =	sadd.s32 s3, s2  }
0x8d: {  	s2 =	sadd.s32 s2, s17  }
0x8e: {  	[smem:$0x3FC0] =	sst s2  }
0x8f: {  	_ = 	snop  }
0x90: {  	s2 =	sld [smem:$0x3FD0];
	(tm) =	ssettm $0x1  }
0x91: {  	s18 =	sld [smem:$0x3FFB];
	_ =	sdelay $0x3  }
0x92: {  	_ =	strace s18  }
0x93: {  	s3 =	sld [smem:$0x3FFC];
	_ =	sdelay $0x3  }
0x94: {  	_ =	strace s3  }
0x95: {  	s3 =	sld [smem:$0x3FFD];
	_ =	sdelay $0x3  }
0x96: {  	_ =	strace s3  }
0x97: {  	_ =	strace $0x8FFFFFFF  }
0x98: {  	s19 =	sld [smem:$0x3FDB];
	_ =	sdelay $0x1  }
0x99: {  	s4 =	simm.s32 $_scs_section_size  }
0x9a: {  	s5 =	simm.s32 $_size__tile_overlayer_lowered;
	s6 =	simm.s32 $_tile_overlayer_lowered  }
0x9b: {  	s22 =	simm.s32 $0x1BFF;
	s21 =	sshll.u32 s6, $0x1;
	s3 =	sadd.s32 s4, s19  }
0x9c: {  	s7 =	simm.s32 $0x0;
	s20 =	sshll.u32 s5, $0x1;
	s5 =	sadd.s32 s21, s3  }
0x9d: {  	[timem:s7], [sflag:s22] =	dma.local [hbm:s5], s20  }
0x9e: {  	_ =	swait.ge [sflag:s22], s20  }
0x9f: {  	s4 =	ssub.s32 $0x0, s20;
	[sflag:s22] =	ssyncset.done $0x0  }
0xa0: {  	[sflag:s22] =	ssyncadd.s32 s4;
	_ =	sdelay $0x1  }
0xa1: {  	s23 =	simm.s32 $0x1B8B  }
0xa2: {  	_ =	swait.ge [sflag:s23], $0x1  }
0xa3: {  	[sflag:s23] =	ssyncset.done $0x0  }
0xa4: {  	s25 =	simm.s32 $0x1B8E;
	s24 =	sld [smem:$0x3FFE];
	[sflag:s23] =	ssyncadd.s32 $0xFFFFFFFF  }
0xa5: {  	s26 =	simm.s32 $execute0_lowered;
	[smem:$0x3FD2] =	sst s25  }
0xa6: {  	s5 =	sshll.u32 s26, $0x1;
	_ =	strace $0x80000046;
	[dreg:$0x1] =	wrdreg $0xFFFFFFFF  }
0xa7: {  	s28 =	simm.s32 $_size_execute0_lowered;
	s3 =	sadd.s32 s3, s5;
	[dreg:$0x0] =	wrdreg $0x0  }
0xa8: {  	s5 =	sshll.u32 s28, $0x1;
	[dreg:$0x2] =	wrdreg s3  }
0xa9: {  	[dreg:$0x3] =	wrdreg s5  }
0xaa: {  	[dreg:$0x4] =	wrdreg $0xC0  }
0xab: {  	_ =	task [dreg:s7], $0x5FFFF  }
0xac: {  	[dreg:$0x1] =	wrdreg $0xFFFFFFFF  }
0xad: {  	[dreg:$0x0] =	wrdreg $0x60  }
0xae: {  	[dreg:$0x2] =	wrdreg s24  }
0xaf: {  	[dreg:$0x3] =	wrdreg s2  }
0xb0: {  	[dreg:$0x4] =	wrdreg $0x9  }
0xb1: {  	_ =	task.clear_ibuf [dreg:s7], $0x5FFFF;
	_ =	strace $0x90000046  }
0xb2: {  	s29 =	simm.s32 $0x9;
	_ =	strace $0x80000048  }
0xb3: {  	_ =	swait.ge [sflag:s29], $0x1  }
0xb4: {  	[sflag:s29] =	ssyncadd.s32 $0xFFFFFFFF  }
0xb5: {  	_ =	strace $0x90000048  }
0xb6: {  	_ =	sfence  }
0xb7: {  	s30 =	sld [smem:$0x0];
	_ =	sdelay $0x2  }
0xb8: {  	s31 =	sshll.u32 s1, $0xD;
	s1 =	sshrl.u32 s1, $0x2  }
0xb9: {  	s3 =	sand.u32 $0x4000, s31;
	s1 =	sadd.s32 s1, s30  }
0xba: {  	s0 =	sor.u32 s3, s0;
	s1 =	sshll.u32 s1, $0x11  }
0xbb: {  	s0 =	sor.u32 s1, s0  }
0xbc: {  	s0 =	sadd.s32 $0x8F2B, s0  }
0xbd: {  	[sflag:s0] =	ssyncadd.remote.s32 $0x1  }
0xbe: {  	_ =	sfence.sel $0xFFFF  }
0xbf: {  	[dreg:$0x0] =	wrdreg $0xFFFFFFFF;
	(pc) =	sbr.abs _section_cstart, $3  }
0xc0: {  	[dreg:$0x1] =	wrdreg $0xFFFFFFFF  }
0xc1: {  	_ =	task.clear_ibuf [dreg:s7], $0x2FFFF;
	_ =	strace $0x9FFFFFFF  }
0xc2: {  	(tm) =	ssettm $0x7FFFFFFF  }
0xc3: {  	_ =	shalt  }
tec
execute0_lowered:
.L_overlay_start_1:
0x0: {  	(tag) =	ssettag $0x1  }
0x1: {  	s1 =	srdreg.scid;
	s3 =	rddreg [dreg:$0x0]  }
0x2: {  	s0 =	stileid.u32;
	s5 =	rddreg [dreg:$0x1]  }
0x3: {  	s20 =	simm.s32 $0x2780;
	s22 =	simm.s32 $0x100;
	s23 =	simm.s32 $0x4780  }
0x4: {  	s24 =	simm.s32 $0x180;
	s25 =	simm.s32 $0x6780;
	s11 =	simm.s32 $0x80  }
0x5: {  	s26 =	simm.s32 $0x200;
	s15 =	simm.s32 $0xC780;
	s16 =	simm.s32 $0x380  }
0x6: {  	p0 =	por $0x0, $0x0;
	s1 =	sand.u32 $0x1, s1;
	s2 =	sshll.u32 s0, $0x1  }
0x7: {  	s28 =	simm.s32 $0x680;
	s4 =	sor.u32 s1, s2;
	s2 =	simm.s32 $0x0  }
0x8: {  	s29 =	simm.s32 $0x1A780;
	s30 =	simm.s32 $0x700;
	[smem:$0x7FF] =	sst s2  }
0x9: {  	s31 =	simm.s32 $0x1C780;
	_ =	strace $0x80000047;
	[dreg:$0x7] =	wrdreg s20  }
0xa: {  	s8 =	simm.s32 $0x1;
	s10 =	sadd.s32 $0x187C00, s3;
	[dreg:$0x8] =	wrdreg s22  }
0xb: {  	s9 =	sadd.s32 $0x2200, s3;
	s7 =	sadd.s32 $0x1200, s3;
	[dreg:$0x9] =	wrdreg s23  }
0xc: {  	s1 =	ssub.s32 $0x2, s1;
	s6 =	smul.u32 $0xA000, s4;
	[dreg:$0xa] =	wrdreg s24  }
0xd: {  	s4 =	smul.u32 $0xF0, s4;
	s21 =	sshrl.u32 s1, $0x1;
	[dreg:$0xb] =	wrdreg s25  }
0xe: {  	s1 =	ssub.s32 s1, s21;
	[dreg:$0xc] =	wrdreg s26;
	s20 =	simm.s32 $0x480  }
0xf: {  	s21 =	simm.s32 $0x12780;
	s22 =	simm.s32 $0x500;
	s23 =	simm.s32 $0x580  }
0x10: {  	s24 =	simm.s32 $0x16780;
	s25 =	simm.s32 $0x600;
	s26 =	simm.s32 $0x18780  }
0x11: {  	s6 =	sshrl.u32 s6, $0x3;
	s4 =	sadd.s32 s5, s4;
	s1 =	smax.u32 s1, $0x1  }
0x12: {  	s5 =	simm.s32 $0x780;
	s6 =	sadd.s32 s6, s3;
	p1 =	sne.s32 s1, $0x1  }
.Ltmp0:
0x13: {  	[dreg:$0x3] =	wrdreg s4;
	s17 =	sadd.s32 $0x3200, s6;
	(pc) =	sbr.rel @!p1 .LBB2_3-.Ltmp0, $4  }
0x14: {  	s3 =	simm.s32 $0x2;
	s18 =	sadd.s32 $0x2B200, s6;
	[dreg:$0x4] =	wrdreg s17  }
0x15: {  	s4 =	simm.s32 $0xA780;
	s19 =	sadd.s32 $0x53200, s6;
	[dreg:$0x5] =	wrdreg s18  }
0x16: {  	s12 =	sadd.s32 $0xFFFFFFFF, s1;
	s6 =	simm.s32 $0x14780;
	[dreg:$0x6] =	wrdreg s19  }
0x17: {  	s17 =	simm.s32 $0xE780;
	s18 =	simm.s32 $0x400;
	s19 =	simm.s32 $0x10780  }
0x18: {  	s0 =	rddreg [dreg:$0x3]  }
0x19: {  	[tilespmem:s2], [sflag:$0x2] =	stream.linear.gather [hbm4b:s0+s2], $0x780, $0x38;
	[tilespmem:$0x1E780] =	vst v63  }
0x1a: {  	_ =	swait.ge [sflag:s3], $0x780  }
0x1b: {  	s1 =	rddreg [dreg:$0x8]  }
0x1c: {  	s0 =	rddreg [dreg:$0x9]  }
0x1d: {  	s14 =	rddreg [dreg:$0xb]  }
0x1e: {  	[dreg:$0xd] =	wrdreg s1  }
0x1f: {  	[sflag:s3] =	ssyncset.done $0x0;
	s1 =	rddreg [dreg:$0x7]  }
0x20: {  	[sflag:s3] =	ssyncadd.s32 $0xFFFFF880;
	[dreg:$0xe] =	wrdreg s14  }
0x21: {  	[tilespmem:s5], [sflag:$0x1] =	stream.indirect.gather [hbm4b:s10+s11], $0x40, s2, s11, $0xb8;
	[tilespmem:$0x1E780] =	vst v63  }
0x22: {  	s14 =	rddreg [dreg:$0xd]  }
0x23: {  	[tilespmem:s1], [sflag:$0x1] =	stream.indirect.gather [hbm4b:s10+s11], $0x40, s11, s11, $0xb8;
	[tilespmem:$0x1E780] =	vst v63  }
0x24: {  	s1 =	rddreg [dreg:$0xa]  }
0x25: {  	[tilespmem:s0], [sflag:$0x1] =	stream.indirect.gather [hbm4b:s10+s11], $0x40, s14, s11, $0xb8;
	[tilespmem:$0x1E780] =	vst v63  }
0x26: {  	s14 =	rddreg [dreg:$0xe]  }
0x27: {  	[tilespmem:s14], [sflag:$0x1] =	stream.indirect.gather [hbm4b:s10+s11], $0x40, s1, s11, $0xb8;
	[tilespmem:$0x1E780] =	vst v63  }
0x28: {  	s13 =	simm.s32 $0x8780;
	s0 =	rddreg [dreg:$0xc]  }
0x29: {  	[tilespmem:s13], [sflag:$0x1] =	stream.indirect.gather [hbm4b:s10+s11], $0x40, s0, s11, $0xb8;
	[tilespmem:$0x1E780] =	vst v63  }
0x2a: {  	s13 =	simm.s32 $0x280  }
0x2b: {  	[tilespmem:s4], [sflag:$0x1] =	stream.indirect.gather [hbm4b:s9+s11], $0x40, s13, s11, $0xb8;
	[tilespmem:$0x1E780] =	vst v63  }
0x2c: {  	s14 =	simm.s32 $0x300  }
0x2d: {  	[tilespmem:s15], [sflag:$0x1] =	stream.indirect.gather [hbm4b:s9+s11], $0x40, s14, s11, $0xb8;
	[tilespmem:$0x1E780] =	vst v63  }
0x2e: {  	_ = 	snop  }
0x2f: {  	[tilespmem:s17], [sflag:$0x1] =	stream.indirect.gather [hbm4b:s9+s11], $0x40, s16, s11, $0xb8;
	[tilespmem:$0x1E780] =	vst v63  }
0x30: {  	_ = 	snop  }
0x31: {  	[tilespmem:s19], [sflag:$0x1] =	stream.indirect.gather [hbm4b:s9+s11], $0x40, s18, s11, $0xb8;
	[tilespmem:$0x1E780] =	vst v63  }
0x32: {  	_ = 	snop  }
0x33: {  	[tilespmem:s21], [sflag:$0x1] =	stream.indirect.gather [hbm4b:s9+s11], $0x40, s20, s11, $0xb8;
	[tilespmem:$0x1E780] =	vst v63  }
0x34: {  	_ = 	snop  }
0x35: {  	[tilespmem:s6], [sflag:$0x1] =	stream.indirect.gather [hbm4b:s7+s11], $0x40, s22, s11, $0xb8;
	[tilespmem:$0x1E780] =	vst v63  }
0x36: {  	_ = 	snop  }
0x37: {  	[tilespmem:s24], [sflag:$0x1] =	stream.indirect.gather [hbm4b:s7+s11], $0x40, s23, s11, $0xb8;
	[tilespmem:$0x1E780] =	vst v63  }
0x38: {  	_ = 	snop  }
0x39: {  	[tilespmem:s26], [sflag:$0x1] =	stream.indirect.gather [hbm4b:s7+s11], $0x40, s25, s11, $0xb8;
	[tilespmem:$0x1E780] =	vst v63  }
0x3a: {  	_ = 	snop  }
0x3b: {  	[tilespmem:s29], [sflag:$0x1] =	stream.indirect.gather [hbm4b:s7+s11], $0x40, s28, s11, $0xb8;
	[tilespmem:$0x1E780] =	vst v63  }
0x3c: {  	_ = 	snop  }
0x3d: {  	[tilespmem:s31], [sflag:$0x1] =	stream.indirect.gather [hbm4b:s7+s11], $0x40, s30, s11, $0xb8;
	[tilespmem:$0x1E780] =	vst v63  }
0x3e: {  	_ =	swait.ge [sflag:s8], $0x2000  }
0x3f: {  	[sflag:s8] =	ssyncset.done $0x0  }
0x40: {  	[sflag:s8] =	ssyncadd.s32 $0xFFFFE000  }
0x41: {  	_ =	swait.ge [sflag:s8], $0x2000  }
0x42: {  	[sflag:s8] =	ssyncset.done $0x0  }
0x43: {  	[sflag:s8] =	ssyncadd.s32 $0xFFFFE000  }
0x44: {  	_ =	swait.ge [sflag:s8], $0x2000  }
0x45: {  	[sflag:s8] =	ssyncset.done $0x0  }
0x46: {  	[sflag:s8] =	ssyncadd.s32 $0xFFFFE000  }
0x47: {  	_ =	swait.ge [sflag:s8], $0x2000  }
0x48: {  	[sflag:s8] =	ssyncset.done $0x0  }
0x49: {  	[sflag:s8] =	ssyncadd.s32 $0xFFFFE000  }
0x4a: {  	_ =	swait.ge [sflag:s8], $0x2000  }
0x4b: {  	[sflag:s8] =	ssyncset.done $0x0  }
0x4c: {  	[sflag:s8] =	ssyncadd.s32 $0xFFFFE000  }
0x4d: {  	_ =	swait.ge [sflag:s8], $0x2000  }
0x4e: {  	[sflag:s8] =	ssyncset.done $0x0  }
0x4f: {  	[sflag:s8] =	ssyncadd.s32 $0xFFFFE000  }
0x50: {  	_ =	swait.ge [sflag:s8], $0x2000  }
0x51: {  	[sflag:s8] =	ssyncset.done $0x0  }
0x52: {  	[sflag:s8] =	ssyncadd.s32 $0xFFFFE000  }
0x53: {  	_ =	swait.ge [sflag:s8], $0x2000  }
0x54: {  	[sflag:s8] =	ssyncset.done $0x0  }
0x55: {  	[sflag:s8] =	ssyncadd.s32 $0xFFFFE000  }
0x56: {  	_ =	swait.ge [sflag:s8], $0x2000  }
0x57: {  	[sflag:s8] =	ssyncset.done $0x0  }
0x58: {  	[sflag:s8] =	ssyncadd.s32 $0xFFFFE000  }
0x59: {  	_ =	swait.ge [sflag:s8], $0x2000  }
0x5a: {  	[sflag:s8] =	ssyncset.done $0x0  }
0x5b: {  	[sflag:s8] =	ssyncadd.s32 $0xFFFFE000  }
0x5c: {  	_ =	swait.ge [sflag:s8], $0x2000  }
0x5d: {  	[sflag:s8] =	ssyncset.done $0x0  }
0x5e: {  	[sflag:s8] =	ssyncadd.s32 $0xFFFFE000  }
0x5f: {  	_ =	swait.ge [sflag:s8], $0x2000  }
0x60: {  	[sflag:s8] =	ssyncset.done $0x0  }
0x61: {  	[sflag:s8] =	ssyncadd.s32 $0xFFFFE000  }
0x62: {  	_ =	swait.ge [sflag:s8], $0x2000  }
0x63: {  	[sflag:s8] =	ssyncset.done $0x0  }
0x64: {  	[sflag:s8] =	ssyncadd.s32 $0xFFFFE000  }
0x65: {  	_ =	swait.ge [sflag:s8], $0x2000  }
0x66: {  	[sflag:s8] =	ssyncset.done $0x0  }
0x67: {  	[sflag:s8] =	ssyncadd.s32 $0xFFFFE000  }
0x68: {  	_ =	swait.ge [sflag:s8], $0x2000  }
0x69: {  	[sflag:s8] =	ssyncset.done $0x0  }
0x6a: {  	s1 =	rddreg [dreg:$0x4];
	[sflag:s8] =	ssyncadd.s32 $0xFFFFE000  }
0x6b: {  	[hbm4b:s1+s2] =	stream.linear.scatter [tilespmem:s5], [sflag:$0x2], $0xA000, $0x38;
	[tilespmem:$0x1E780] =	vst v63  }
0x6c: {  	_ =	swait.ge [sflag:s3], $0xA000  }
0x6d: {  	[sflag:s3] =	ssyncset.done $0x0  }
0x6e: {  	p1 =	sne.s32 s12, $0x1;
	s13 =	rddreg [dreg:$0x5];
	[sflag:s3] =	ssyncadd.s32 $0xFFFF6000  }
0x6f: {  	[hbm4b:s13+s2] =	stream.linear.scatter [tilespmem:s4], [sflag:$0x2], $0xA000, $0x38;
	[tilespmem:$0x1E780] =	vst v63  }
.Ltmp1:
0x70: {  	_ = 	snop;
	(pc) =	sbr.rel @!p1 .LBB2_3-.Ltmp1, $4  }
0x71: {  	_ =	swait.ge [sflag:s3], $0xA000  }
0x72: {  	p0 =	por $0x1, $0x1;
	[sflag:s3] =	ssyncset.done $0x0  }
0x73: {  	s1 =	sadd.s32 $0xFFFFFFFF, s12;
	s14 =	rddreg [dreg:$0x6];
	[sflag:s3] =	ssyncadd.s32 $0xFFFF6000  }
0x74: {  	[hbm4b:s14+s2] =	stream.linear.scatter [tilespmem:s6], [sflag:$0x2], $0xA000, $0x38;
	[tilespmem:$0x1E780] =	vst v63  }
.LBB2_2:
0x75: {  	_ =	swait.ge [sflag:s3], $0xA000  }
0x76: {  	[sflag:s3] =	ssyncset.done $0x0  }
0x77: {  	s0 =	rddreg [dreg:$0x3];
	[sflag:s3] =	ssyncadd.s32 $0xFFFF6000  }
0x78: {  	[tilespmem:s2], [sflag:$0x2] =	stream.linear.gather [hbm4b:s0+s2], $0x780, $0x38;
	[tilespmem:$0x1E780] =	vst v63  }
0x79: {  	_ =	swait.ge [sflag:s3], $0x780  }
0x7a: {  	s0 =	rddreg [dreg:$0x8];
	[sflag:s3] =	ssyncset.done $0x0  }
0x7b: {  	s12 =	rddreg [dreg:$0x7];
	[sflag:s3] =	ssyncadd.s32 $0xFFFFF880  }
0x7c: {  	[tilespmem:s5], [sflag:$0x1] =	stream.indirect.gather [hbm4b:s10+s11], $0x40, s2, s11, $0xb8;
	[tilespmem:$0x1E780] =	vst v63  }
0x7d: {  	s13 =	rddreg [dreg:$0x9]  }
0x7e: {  	[tilespmem:s12], [sflag:$0x1] =	stream.indirect.gather [hbm4b:s10+s11], $0x40, s11, s11, $0xb8;
	[tilespmem:$0x1E780] =	vst v63  }
0x7f: {  	s14 =	rddreg [dreg:$0xb]  }
0x80: {  	[tilespmem:s13], [sflag:$0x1] =	stream.indirect.gather [hbm4b:s10+s11], $0x40, s0, s11, $0xb8;
	[tilespmem:$0x1E780] =	vst v63  }
0x81: {  	s12 =	rddreg [dreg:$0xa]  }
0x82: {  	[tilespmem:s14], [sflag:$0x1] =	stream.indirect.gather [hbm4b:s10+s11], $0x40, s12, s11, $0xb8;
	[tilespmem:$0x1E780] =	vst v63  }
0x83: {  	s0 =	rddreg [dreg:$0xc];
	s12 =	simm.s32 $0x8780  }
0x84: {  	[tilespmem:s12], [sflag:$0x1] =	stream.indirect.gather [hbm4b:s10+s11], $0x40, s0, s11, $0xb8;
	[tilespmem:$0x1E780] =	vst v63  }
0x85: {  	s13 =	simm.s32 $0x280  }
0x86: {  	[tilespmem:s4], [sflag:$0x1] =	stream.indirect.gather [hbm4b:s9+s11], $0x40, s13, s11, $0xb8;
	[tilespmem:$0x1E780] =	vst v63  }
0x87: {  	s14 =	simm.s32 $0x300  }
0x88: {  	[tilespmem:s15], [sflag:$0x1] =	stream.indirect.gather [hbm4b:s9+s11], $0x40, s14, s11, $0xb8;
	[tilespmem:$0x1E780] =	vst v63  }
0x89: {  	_ = 	snop  }
0x8a: {  	[tilespmem:s17], [sflag:$0x1] =	stream.indirect.gather [hbm4b:s9+s11], $0x40, s16, s11, $0xb8;
	[tilespmem:$0x1E780] =	vst v63  }
0x8b: {  	_ = 	snop  }
0x8c: {  	[tilespmem:s19], [sflag:$0x1] =	stream.indirect.gather [hbm4b:s9+s11], $0x40, s18, s11, $0xb8;
	[tilespmem:$0x1E780] =	vst v63  }
0x8d: {  	_ = 	snop  }
0x8e: {  	[tilespmem:s21], [sflag:$0x1] =	stream.indirect.gather [hbm4b:s9+s11], $0x40, s20, s11, $0xb8;
	[tilespmem:$0x1E780] =	vst v63  }
0x8f: {  	_ = 	snop  }
0x90: {  	[tilespmem:s6], [sflag:$0x1] =	stream.indirect.gather [hbm4b:s7+s11], $0x40, s22, s11, $0xb8;
	[tilespmem:$0x1E780] =	vst v63  }
0x91: {  	_ = 	snop  }
0x92: {  	[tilespmem:s24], [sflag:$0x1] =	stream.indirect.gather [hbm4b:s7+s11], $0x40, s23, s11, $0xb8;
	[tilespmem:$0x1E780] =	vst v63  }
0x93: {  	_ = 	snop  }
0x94: {  	[tilespmem:s26], [sflag:$0x1] =	stream.indirect.gather [hbm4b:s7+s11], $0x40, s25, s11, $0xb8;
	[tilespmem:$0x1E780] =	vst v63  }
0x95: {  	_ = 	snop  }
0x96: {  	[tilespmem:s29], [sflag:$0x1] =	stream.indirect.gather [hbm4b:s7+s11], $0x40, s28, s11, $0xb8;
	[tilespmem:$0x1E780] =	vst v63  }
0x97: {  	_ = 	snop  }
0x98: {  	[tilespmem:s31], [sflag:$0x1] =	stream.indirect.gather [hbm4b:s7+s11], $0x40, s30, s11, $0xb8;
	[tilespmem:$0x1E780] =	vst v63  }
0x99: {  	_ =	swait.ge [sflag:s8], $0x2000  }
0x9a: {  	[sflag:s8] =	ssyncset.done $0x0  }
0x9b: {  	[sflag:s8] =	ssyncadd.s32 $0xFFFFE000  }
0x9c: {  	_ =	swait.ge [sflag:s8], $0x2000  }
0x9d: {  	[sflag:s8] =	ssyncset.done $0x0  }
0x9e: {  	[sflag:s8] =	ssyncadd.s32 $0xFFFFE000  }
0x9f: {  	_ =	swait.ge [sflag:s8], $0x2000  }
0xa0: {  	[sflag:s8] =	ssyncset.done $0x0  }
0xa1: {  	[sflag:s8] =	ssyncadd.s32 $0xFFFFE000  }
0xa2: {  	_ =	swait.ge [sflag:s8], $0x2000  }
0xa3: {  	[sflag:s8] =	ssyncset.done $0x0  }
0xa4: {  	[sflag:s8] =	ssyncadd.s32 $0xFFFFE000  }
0xa5: {  	_ =	swait.ge [sflag:s8], $0x2000  }
0xa6: {  	[sflag:s8] =	ssyncset.done $0x0  }
0xa7: {  	[sflag:s8] =	ssyncadd.s32 $0xFFFFE000  }
0xa8: {  	_ =	swait.ge [sflag:s8], $0x2000  }
0xa9: {  	[sflag:s8] =	ssyncset.done $0x0  }
0xaa: {  	[sflag:s8] =	ssyncadd.s32 $0xFFFFE000  }
0xab: {  	_ =	swait.ge [sflag:s8], $0x2000  }
0xac: {  	[sflag:s8] =	ssyncset.done $0x0  }
0xad: {  	[sflag:s8] =	ssyncadd.s32 $0xFFFFE000  }
0xae: {  	_ =	swait.ge [sflag:s8], $0x2000  }
0xaf: {  	[sflag:s8] =	ssyncset.done $0x0  }
0xb0: {  	[sflag:s8] =	ssyncadd.s32 $0xFFFFE000  }
0xb1: {  	_ =	swait.ge [sflag:s8], $0x2000  }
0xb2: {  	[sflag:s8] =	ssyncset.done $0x0  }
0xb3: {  	[sflag:s8] =	ssyncadd.s32 $0xFFFFE000  }
0xb4: {  	_ =	swait.ge [sflag:s8], $0x2000  }
0xb5: {  	[sflag:s8] =	ssyncset.done $0x0  }
0xb6: {  	[sflag:s8] =	ssyncadd.s32 $0xFFFFE000  }
0xb7: {  	_ =	swait.ge [sflag:s8], $0x2000  }
0xb8: {  	[sflag:s8] =	ssyncset.done $0x0  }
0xb9: {  	[sflag:s8] =	ssyncadd.s32 $0xFFFFE000  }
0xba: {  	_ =	swait.ge [sflag:s8], $0x2000  }
0xbb: {  	[sflag:s8] =	ssyncset.done $0x0  }
0xbc: {  	[sflag:s8] =	ssyncadd.s32 $0xFFFFE000  }
0xbd: {  	_ =	swait.ge [sflag:s8], $0x2000  }
0xbe: {  	[sflag:s8] =	ssyncset.done $0x0  }
0xbf: {  	[sflag:s8] =	ssyncadd.s32 $0xFFFFE000  }
0xc0: {  	_ =	swait.ge [sflag:s8], $0x2000  }
0xc1: {  	[sflag:s8] =	ssyncset.done $0x0  }
0xc2: {  	[sflag:s8] =	ssyncadd.s32 $0xFFFFE000  }
0xc3: {  	_ =	swait.ge [sflag:s8], $0x2000  }
0xc4: {  	[sflag:s8] =	ssyncset.done $0x0  }
0xc5: {  	s12 =	rddreg [dreg:$0x4];
	[sflag:s8] =	ssyncadd.s32 $0xFFFFE000  }
0xc6: {  	[hbm4b:s12+s2] =	stream.linear.scatter [tilespmem:s5], [sflag:$0x2], $0xA000, $0x38;
	[tilespmem:$0x1E780] =	vst v63  }
0xc7: {  	_ =	swait.ge [sflag:s3], $0xA000  }
0xc8: {  	[sflag:s3] =	ssyncset.done $0x0  }
0xc9: {  	p1 =	sne.s32 s1, $0x1;
	s13 =	rddreg [dreg:$0x5];
	[sflag:s3] =	ssyncadd.s32 $0xFFFF6000  }
0xca: {  	[hbm4b:s13+s2] =	stream.linear.scatter [tilespmem:s4], [sflag:$0x2], $0xA000, $0x38;
	[tilespmem:$0x1E780] =	vst v63  }
.Ltmp2:
0xcb: {  	_ = 	snop;
	(pc) =	sbr.rel @p1 .LBB2_2-.Ltmp2, $4  }
0xcc: {  	_ =	swait.ge [sflag:s3], $0xA000  }
0xcd: {  	[sflag:s3] =	ssyncset.done $0x0  }
0xce: {  	s1 =	sadd.s32 $0xFFFFFFFF, s1;
	s14 =	rddreg [dreg:$0x6];
	[sflag:s3] =	ssyncadd.s32 $0xFFFF6000  }
0xcf: {  	[hbm4b:s14+s2] =	stream.linear.scatter [tilespmem:s6], [sflag:$0x2], $0xA000, $0x38;
	[tilespmem:$0x1E780] =	vst v63  }
.LBB2_3:
0xd0: {  	_ =	swait.ge @p0 [sflag:s3], $0xA000  }
0xd1: {  	[sflag:s3] =	ssyncset.done @p0 $0x0  }
0xd2: {  	s0 =	rddreg [dreg:$0x3];
	[sflag:s3] =	ssyncadd.s32 @p0 $0xFFFF6000  }
0xd3: {  	[tilespmem:s2], [sflag:$0x2] =	stream.linear.gather [hbm4b:s0+s2], $0x780, $0x38;
	[tilespmem:$0x1E780] =	vst v63  }
0xd4: {  	_ =	swait.ge [sflag:s3], $0x780  }
0xd5: {  	[sflag:s3] =	ssyncset.done $0x0;
	s14 =	rddreg [dreg:$0x7]  }
0xd6: {  	s0 =	rddreg [dreg:$0x8];
	[sflag:s3] =	ssyncadd.s32 $0xFFFFF880  }
0xd7: {  	[tilespmem:s5], [sflag:$0x1] =	stream.indirect.gather [hbm4b:s10+s11], $0x40, s2, s11, $0xb8;
	[tilespmem:$0x1E780] =	vst v63  }
0xd8: {  	s1 =	rddreg [dreg:$0x9]  }
0xd9: {  	[tilespmem:s14], [sflag:$0x1] =	stream.indirect.gather [hbm4b:s10+s11], $0x40, s11, s11, $0xb8;
	[tilespmem:$0x1E780] =	vst v63  }
0xda: {  	s12 =	rddreg [dreg:$0xb]  }
0xdb: {  	[tilespmem:s1], [sflag:$0x1] =	stream.indirect.gather [hbm4b:s10+s11], $0x40, s0, s11, $0xb8;
	[tilespmem:$0x1E780] =	vst v63  }
0xdc: {  	s13 =	rddreg [dreg:$0xa]  }
0xdd: {  	[tilespmem:s12], [sflag:$0x1] =	stream.indirect.gather [hbm4b:s10+s11], $0x40, s13, s11, $0xb8;
	[tilespmem:$0x1E780] =	vst v63  }
0xde: {  	s14 =	simm.s32 $0x8780;
	s1 =	rddreg [dreg:$0xc]  }
0xdf: {  	[tilespmem:s14], [sflag:$0x1] =	stream.indirect.gather [hbm4b:s10+s11], $0x40, s1, s11, $0xb8;
	[tilespmem:$0x1E780] =	vst v63  }
0xe0: {  	s13 =	simm.s32 $0x280  }
0xe1: {  	[tilespmem:s4], [sflag:$0x1] =	stream.indirect.gather [hbm4b:s9+s11], $0x40, s13, s11, $0xb8;
	[tilespmem:$0x1E780] =	vst v63  }
0xe2: {  	s14 =	simm.s32 $0x300  }
0xe3: {  	[tilespmem:s15], [sflag:$0x1] =	stream.indirect.gather [hbm4b:s9+s11], $0x40, s14, s11, $0xb8;
	[tilespmem:$0x1E780] =	vst v63  }
0xe4: {  	_ = 	snop  }
0xe5: {  	[tilespmem:s17], [sflag:$0x1] =	stream.indirect.gather [hbm4b:s9+s11], $0x40, s16, s11, $0xb8;
	[tilespmem:$0x1E780] =	vst v63  }
0xe6: {  	_ = 	snop  }
0xe7: {  	[tilespmem:s19], [sflag:$0x1] =	stream.indirect.gather [hbm4b:s9+s11], $0x40, s18, s11, $0xb8;
	[tilespmem:$0x1E780] =	vst v63  }
0xe8: {  	_ = 	snop  }
0xe9: {  	[tilespmem:s21], [sflag:$0x1] =	stream.indirect.gather [hbm4b:s9+s11], $0x40, s20, s11, $0xb8;
	[tilespmem:$0x1E780] =	vst v63  }
0xea: {  	_ = 	snop  }
0xeb: {  	[tilespmem:s6], [sflag:$0x1] =	stream.indirect.gather [hbm4b:s7+s11], $0x40, s22, s11, $0xb8;
	[tilespmem:$0x1E780] =	vst v63  }
0xec: {  	_ = 	snop  }
0xed: {  	[tilespmem:s24], [sflag:$0x1] =	stream.indirect.gather [hbm4b:s7+s11], $0x40, s23, s11, $0xb8;
	[tilespmem:$0x1E780] =	vst v63  }
0xee: {  	_ = 	snop  }
0xef: {  	[tilespmem:s26], [sflag:$0x1] =	stream.indirect.gather [hbm4b:s7+s11], $0x40, s25, s11, $0xb8;
	[tilespmem:$0x1E780] =	vst v63  }
0xf0: {  	_ = 	snop  }
0xf1: {  	[tilespmem:s29], [sflag:$0x1] =	stream.indirect.gather [hbm4b:s7+s11], $0x40, s28, s11, $0xb8;
	[tilespmem:$0x1E780] =	vst v63  }
0xf2: {  	_ = 	snop  }
0xf3: {  	[tilespmem:s31], [sflag:$0x1] =	stream.indirect.gather [hbm4b:s7+s11], $0x40, s30, s11, $0xb8;
	[tilespmem:$0x1E780] =	vst v63  }
0xf4: {  	_ =	swait.ge [sflag:s8], $0x2000  }
0xf5: {  	[sflag:s8] =	ssyncset.done $0x0  }
0xf6: {  	[sflag:s8] =	ssyncadd.s32 $0xFFFFE000  }
0xf7: {  	_ =	swait.ge [sflag:s8], $0x2000  }
0xf8: {  	[sflag:s8] =	ssyncset.done $0x0  }
0xf9: {  	[sflag:s8] =	ssyncadd.s32 $0xFFFFE000  }
0xfa: {  	_ =	swait.ge [sflag:s8], $0x2000  }
0xfb: {  	[sflag:s8] =	ssyncset.done $0x0  }
0xfc: {  	[sflag:s8] =	ssyncadd.s32 $0xFFFFE000  }
0xfd: {  	_ =	swait.ge [sflag:s8], $0x2000  }
0xfe: {  	[sflag:s8] =	ssyncset.done $0x0  }
0xff: {  	[sflag:s8] =	ssyncadd.s32 $0xFFFFE000  }
0x100: {  	_ =	swait.ge [sflag:s8], $0x2000  }
0x101: {  	[sflag:s8] =	ssyncset.done $0x0  }
0x102: {  	[sflag:s8] =	ssyncadd.s32 $0xFFFFE000  }
0x103: {  	_ =	swait.ge [sflag:s8], $0x2000  }
0x104: {  	[sflag:s8] =	ssyncset.done $0x0  }
0x105: {  	[sflag:s8] =	ssyncadd.s32 $0xFFFFE000  }
0x106: {  	_ =	swait.ge [sflag:s8], $0x2000  }
0x107: {  	[sflag:s8] =	ssyncset.done $0x0  }
0x108: {  	[sflag:s8] =	ssyncadd.s32 $0xFFFFE000  }
0x109: {  	_ =	swait.ge [sflag:s8], $0x2000  }
0x10a: {  	[sflag:s8] =	ssyncset.done $0x0  }
0x10b: {  	[sflag:s8] =	ssyncadd.s32 $0xFFFFE000  }
0x10c: {  	_ =	swait.ge [sflag:s8], $0x2000  }
0x10d: {  	[sflag:s8] =	ssyncset.done $0x0  }
0x10e: {  	[sflag:s8] =	ssyncadd.s32 $0xFFFFE000  }
0x10f: {  	_ =	swait.ge [sflag:s8], $0x2000  }
0x110: {  	[sflag:s8] =	ssyncset.done $0x0  }
0x111: {  	[sflag:s8] =	ssyncadd.s32 $0xFFFFE000  }
0x112: {  	_ =	swait.ge [sflag:s8], $0x2000  }
0x113: {  	[sflag:s8] =	ssyncset.done $0x0  }
0x114: {  	[sflag:s8] =	ssyncadd.s32 $0xFFFFE000  }
0x115: {  	_ =	swait.ge [sflag:s8], $0x2000  }
0x116: {  	[sflag:s8] =	ssyncset.done $0x0  }
0x117: {  	[sflag:s8] =	ssyncadd.s32 $0xFFFFE000  }
0x118: {  	_ =	swait.ge [sflag:s8], $0x2000  }
0x119: {  	[sflag:s8] =	ssyncset.done $0x0  }
0x11a: {  	[sflag:s8] =	ssyncadd.s32 $0xFFFFE000  }
0x11b: {  	_ =	swait.ge [sflag:s8], $0x2000  }
0x11c: {  	[sflag:s8] =	ssyncset.done $0x0  }
0x11d: {  	[sflag:s8] =	ssyncadd.s32 $0xFFFFE000  }
0x11e: {  	_ =	swait.ge [sflag:s8], $0x2000  }
0x11f: {  	[sflag:s8] =	ssyncset.done $0x0  }
0x120: {  	s28 =	rddreg [dreg:$0x4];
	[sflag:s8] =	ssyncadd.s32 $0xFFFFE000  }
0x121: {  	[hbm4b:s28+s2] =	stream.linear.scatter [tilespmem:s5], [sflag:$0x2], $0xA000, $0x38;
	[tilespmem:$0x1E780] =	vst v63  }
0x122: {  	_ =	swait.ge [sflag:s3], $0xA000  }
0x123: {  	[sflag:s3] =	ssyncset.done $0x0  }
0x124: {  	s29 =	rddreg [dreg:$0x5];
	[sflag:s3] =	ssyncadd.s32 $0xFFFF6000  }
0x125: {  	[hbm4b:s29+s2] =	stream.linear.scatter [tilespmem:s4], [sflag:$0x2], $0xA000, $0x38;
	[tilespmem:$0x1E780] =	vst v63  }
0x126: {  	_ =	swait.ge [sflag:s3], $0xA000  }
0x127: {  	[sflag:s3] =	ssyncset.done $0x0  }
0x128: {  	s30 =	rddreg [dreg:$0x6];
	[sflag:s3] =	ssyncadd.s32 $0xFFFF6000  }
0x129: {  	[hbm4b:s30+s2] =	stream.linear.scatter [tilespmem:s6], [sflag:$0x2], $0xA000, $0x38;
	[tilespmem:$0x1E780] =	vst v63  }
0x12a: {  	_ =	swait.ge [sflag:s3], $0xA000  }
0x12b: {  	[sflag:s3] =	ssyncset.done $0x0  }
0x12c: {  	[sflag:s3] =	ssyncadd.s32 $0xFFFF6000  }
0x12d: {  	_ =	sfence.sel $0x180000  }
0x12e: {  	[bflag:$0x0] =	sbarrier.arrive $0xFFFF  }
0x12f: {  	_ =	strace $0x90000047  }
0x130: {  	s31 =	stileid.u32;
	[bflag:$0x2] =	sbarrier.arrive $0xFFFF  }
0x131: {  	p0 =	sne.s32 s31, $0x0;
	s0 =	rddreg [dreg:$0x2]  }
0x132: {  	s0 =	sadd.s32 @!p0 $0x100000, s0  }
0x133: {  	[sflag:s0] =	ssyncadd.tile.s32 @!p0 $0x1;
	_ =	shalt  }
.Lfunc_end2:
_tile_overlayer_lowered:
.L_overlay_start_2:
0x134: {  	(tag) =	ssettag $0x2  }
0x135: {  	s0 =	rddreg [dreg:$0x0];
	s2 =	stileid.u32  }
0x136: {  	s1 =	rddreg [dreg:$0x1];
	p0 =	sne.s32 s2, $0x0  }
0x137: {  	s3 =	rddreg [dreg:$0x2];
	[bflag:$0x3] =	sbarrier.arrive $0xFFFF;
	s2 =	simm.s32 @!p0 $0x1C02  }
0x138: {  	[timem:s3], [sflag:s2] =	dma.local @!p0 [hbm:s0], s1  }
0x139: {  	s0 =	simm.s32 @!p0 $0x2  }
0x13a: {  	_ =	swait.ge @!p0 [sflag:s0], s1  }
0x13b: {  	s1 =	ssub.s32 @!p0 $0x0, s1;
	[sflag:s0] =	ssyncset.done @!p0 $0x0  }
0x13c: {  	[sflag:s0] =	ssyncadd.s32 @!p0 s1  }
0x13d: {  	[bflag:$0x3] =	sbarrier.arrive $0xFFFF  }
0x13e: {  	_ =	shalt  }

</sc_bundles>
